<compile_context>
chip_gen: v7x
topology: tpu7x:2x2x1
jax: 0.10.2.dev20260603
libtpu: 0.0.44.dev20260713+nightly
codegen_flags: <defaults>
</compile_context>

<pallas_src>
import functools

import jax
import jax.numpy as jnp
from jax import lax
from jax.experimental import pallas as pl
from jax.experimental.pallas import tpu as pltpu
from jax.experimental.pallas import tpu_sc as plsc

B = 16
N = 100000
NBINS = 512
W = 2048
NWF = N // W
TAIL = N - NWF * W
TVREGS = TAIL // 16
TROWS = TAIL // 128


def _zero_bins(ref):
  z = jnp.zeros((16,), jnp.int32)

  def body(i, _):
    ref[pl.ds(i * 16, 16)] = z
    return 0

  lax.fori_loop(0, NBINS // 16, body, 0)


def _excl_scan(hist_ref, base_ref, offset):

  def body(i, carry):
    h = hist_ref[pl.ds(i * 16, 16)]
    c = plsc.cumsum(h)
    base_ref[pl.ds(i * 16, 16)] = c - h + jnp.broadcast_to(carry, (16,))
    return carry + jnp.sum(h)

  lax.fori_loop(0, NBINS // 16, body, offset)


def _make_kern():
  mesh = plsc.VectorSubcoreMesh(core_axis_name="c", subcore_axis_name="s")
  flat = jax.ShapeDtypeStruct((B * N,), jnp.int32)
  out_type = (flat,) * 6

  scratch = [
      pltpu.VMEM((W * 3,), jnp.float32),
      pltpu.VMEM((W,), jnp.int32),
      pltpu.VMEM((W,), jnp.int32),
      pltpu.VMEM((16, 128), jnp.int32),
      pltpu.VMEM((16, 128), jnp.int32),
      pltpu.VMEM((16, 128), jnp.int32),
      pltpu.VMEM((32,), jnp.int32),
      pltpu.VMEM((32,), jnp.int32),
      pltpu.VMEM((32,), jnp.int32),
      pltpu.VMEM((NBINS,), jnp.int32),
      pltpu.VMEM((NBINS,), jnp.int32),
      pltpu.VMEM((NBINS,), jnp.int32),
      pltpu.VMEM((NBINS,), jnp.int32),
      pltpu.SemaphoreType.DMA,
  ]

  @functools.partial(
      pl.kernel, out_type=out_type, mesh=mesh, scratch_types=scratch,
      compiler_params=pltpu.CompilerParams(needs_layout_passes=False))
  def kern(pc_hbm, keys_hbm, order_hbm, sk_hbm, vlin_hbm, va_hbm, ia_hbm,
           raw, vbuf, kbuf, pos2d, dat_a, dat_b, pos_t, dat_ta, dat_tb,
           hist0, hist1, cnt0, cnt1, sem):
    c = lax.axis_index("c")
    s = lax.axis_index("s")
    ncores = plsc.get_sparse_core_info().num_cores
    reps = -(-B // ncores)

    def run_batch(b):
      bN = b * N
      lanes = lax.iota(jnp.int32, 16)

      _zero_bins(hist0)
      _zero_bins(hist1)

      def p1_vreg(i, _):
        p3 = (i * 16 + lanes) * 3
        x = plsc.load_gather(raw, [p3])
        y = plsc.load_gather(raw, [p3 + 1])
        z = plsc.load_gather(raw, [p3 + 2])
        ix = (x * 63.0).astype(jnp.int32)
        iy = (y * 63.0).astype(jnp.int32)
        iz = (z * 63.0).astype(jnp.int32)
        v = ix * 4096 + iy * 64 + iz
        key = ix * 10000 + iy * 100 + iz
        vbuf[pl.ds(i * 16, 16)] = v
        kbuf[pl.ds(i * 16, 16)] = key
        d0 = v & 511
        c0, l0 = plsc.scan_count(d0)
        plsc.addupdate_scatter(hist0, [d0], c0, mask=l0)
        d1 = v >> 9
        c1, l1 = plsc.scan_count(d1)
        plsc.addupdate_scatter(hist1, [d1], c1, mask=l1)
        return 0

      def p1_window(start, nv, we):
        pltpu.async_copy(
            pc_hbm.at[pl.ds((bN + start) * 3, we * 3)],
            raw.at[pl.ds(0, we * 3)], sem).wait()
        lax.fori_loop(0, nv, p1_vreg, 0)
        o1 = pltpu.async_copy(
            vbuf.at[pl.ds(0, we)], vlin_hbm.at[pl.ds(bN + start, we)], sem)
        o2 = pltpu.async_copy(
            kbuf.at[pl.ds(0, we)], keys_hbm.at[pl.ds(bN + start, we)], sem)
        o1.wait()
        o2.wait()

      def w1(w, _):
        p1_window(w * W, W // 16, W)
        return 0

      lax.fori_loop(0, NWF, w1, 0)
      p1_window(NWF * W, TVREGS, TAIL)

      _excl_scan(hist0, cnt0, bN)
      _excl_scan(hist1, cnt1, bN)

      def rank_pass(in1_hbm, in2_hbm, out1_hbm, out2_hbm, cnt, shift_mode):

        def rank_vreg(start, i, pref, pidx, daref, didx_a, dbref, didx_b):
          v = vbuf[pl.ds(i * 16, 16)]
          if shift_mode == 0:
            d = v & 511
          else:
            d = v >> 9
          cc, ll = plsc.scan_count(d)
          base = plsc.load_gather(cnt, [d])
          pos = base + cc - 1
          plsc.addupdate_scatter(cnt, [d], cc, mask=ll)
          if shift_mode == 0:
            a_val = v
            b_val = start + i * 16 + lanes
          else:
            a_val = kbuf[pl.ds(i * 16, 16)]
            ix = v >> 12
            iy = (v >> 6) & 63
            iz = v & 63
            b_val = ix * 10000 + iy * 100 + iz
          pref[pidx] = pos
          daref[didx_a] = a_val
          dbref[didx_b] = b_val

        def rank_window(start, full):
          we = W if full else TAIL
          i1 = pltpu.async_copy(
              in1_hbm.at[pl.ds(bN + start, we)], vbuf.at[pl.ds(0, we)], sem)
          if shift_mode == 1:
            i2 = pltpu.async_copy(
                in2_hbm.at[pl.ds(bN + start, we)], kbuf.at[pl.ds(0, we)], sem)
            i2.wait()
          i1.wait()

          nv2d = (W // 16) if full else (TROWS * 8)

          def body(i, _):
            r = i // 8
            col = (i % 8) * 16
            idx2 = (r, pl.ds(col, 16))
            rank_vreg(start, i, pos2d, idx2, dat_a, idx2, dat_b, idx2)
            return 0

          lax.fori_loop(0, nv2d, body, 0)
          if not full:
            for j in range(2):
              sl = pl.ds(j * 16, 16)
              rank_vreg(start, TROWS * 8 + j, pos_t, sl, dat_ta, sl,
                        dat_tb, sl)

          nrows = 16 if full else TROWS

          def fire_row(j, _):
            pltpu.async_copy(dat_a.at[j], out1_hbm.at[pos2d.at[j]], sem)
            pltpu.async_copy(dat_b.at[j], out2_hbm.at[pos2d.at[j]], sem)
            return 0

          lax.fori_loop(0, nrows, fire_row, 0)
          if not full:
            pltpu.async_copy(dat_ta, out1_hbm.at[pos_t], sem)
            pltpu.async_copy(dat_tb, out2_hbm.at[pos_t], sem)
          ne = nrows * 128
          pltpu.make_async_copy(
              out1_hbm.at[pl.ds(0, ne)], vbuf.at[pl.ds(0, ne)], sem).wait()
          pltpu.make_async_copy(
              out1_hbm.at[pl.ds(0, ne)], vbuf.at[pl.ds(0, ne)], sem).wait()
          if not full:
            pltpu.make_async_copy(
                out1_hbm.at[pl.ds(0, 32)], dat_ta, sem).wait()
            pltpu.make_async_copy(
                out1_hbm.at[pl.ds(0, 32)], dat_tb, sem).wait()

        def wf(w, _):
          rank_window(w * W, True)
          return 0

        lax.fori_loop(0, NWF, wf, 0)
        rank_window(NWF * W, False)

      rank_pass(vlin_hbm, None, va_hbm, ia_hbm, cnt0, 0)

      def settle(w, _):
        pltpu.async_copy(
            va_hbm.at[pl.ds(bN + w * W, W)], vbuf.at[pl.ds(0, W)], sem).wait()
        return 0

      lax.fori_loop(0, NWF, settle, 0)

      rank_pass(va_hbm, ia_hbm, order_hbm, sk_hbm, cnt1, 1)

    @pl.when(s == 0)
    def _():
      def rep_body(r, _):
        bb = c * reps + r

        @pl.when(bb < B)
        def _():
          run_batch(bb)

        return 0

      lax.fori_loop(0, reps, rep_body, 0)

  return kern


_KERN = None


def kernel(point_cloud):
  global _KERN
  if _KERN is None:
    _KERN = _make_kern()
  pc_flat = point_cloud.reshape(-1)
  keys, order, sk, _, _, _ = _KERN(pc_flat)
  return (keys.reshape(B, N), order.reshape(B, N), sk.reshape(B, N))

# --- scband reference (transcript-rebuilt; emitter-appended) ---
"""Pipeline reference for scband-voxel-module-33698313404544 (READ-ONLY COPY).

The authoritative reference and input builder live on the scoring server;
editing this copy changes nothing except your own understanding.
"""

import jax, jax.numpy as jnp
import numpy as np

VOXEL_SIZE = 64

def setup_inputs(seed: int = 0) -> dict:
    key = jax.random.key(seed)
    point_cloud = jax.random.uniform(key, (16, 100000, 3), dtype=jnp.float32)
    return {"point_cloud": point_cloud}

def reference(point_cloud):
    # Faithful translation of VoxelModule.forward:
    #   index = point * (voxel_size - 1); int() truncation (== floor for non-negative coords)
    #   key   = x * 10000 + y * 100 + z
    # The original builds, per batch element, a dict {voxel_key: [point indices]}.
    # The array-based equivalent is: per-point voxel keys, plus point indices grouped
    # (sorted) by voxel key so that contiguous runs of sorted_keys correspond to the
    # per-voxel lists of point indices.
    vs = VOXEL_SIZE
    idx = jnp.floor(point_cloud * (vs - 1)).astype(jnp.int32)  # [B, N, 3]
    keys = idx[..., 0] * 10000 + idx[..., 1] * 100 + idx[..., 2]  # [B, N]
    order = jnp.argsort(keys, axis=1)  # point indices grouped by voxel (the dict's value lists)
    sorted_keys = jnp.take_along_axis(keys, order, axis=1)  # run boundaries delimit voxels
    return keys, order, sorted_keys

if __name__ == "__main__":
    import jax
    _d = setup_inputs()
    print(jax.jit(kernel)(*tuple(_d.values())))

</pallas_src>

<mosaic_0001>
#map = affine_map<(d0, d1) -> (0)>
module attributes {stable_mosaic.version = 14 : i64} {
  func.func @kern(%arg0: i32, %arg1: i32, %arg2: memref<4800000xf32, #tpu.memory_space<hbm>>, %arg3: memref<1600000xi32, #tpu.memory_space<hbm>>, %arg4: memref<1600000xi32, #tpu.memory_space<hbm>>, %arg5: memref<1600000xi32, #tpu.memory_space<hbm>>, %arg6: memref<1600000xi32, #tpu.memory_space<hbm>>, %arg7: memref<1600000xi32, #tpu.memory_space<hbm>>, %arg8: memref<1600000xi32, #tpu.memory_space<hbm>>, %arg9: memref<6144xf32, #tpu.memory_space<vmem>>, %arg10: memref<2048xi32, #tpu.memory_space<vmem>>, %arg11: memref<2048xi32, #tpu.memory_space<vmem>>, %arg12: memref<16x128xi32, #tpu.memory_space<vmem>>, %arg13: memref<16x128xi32, #tpu.memory_space<vmem>>, %arg14: memref<16x128xi32, #tpu.memory_space<vmem>>, %arg15: memref<32xi32, #tpu.memory_space<vmem>>, %arg16: memref<32xi32, #tpu.memory_space<vmem>>, %arg17: memref<32xi32, #tpu.memory_space<vmem>>, %arg18: memref<512xi32, #tpu.memory_space<vmem>>, %arg19: memref<512xi32, #tpu.memory_space<vmem>>, %arg20: memref<512xi32, #tpu.memory_space<vmem>>, %arg21: memref<512xi32, #tpu.memory_space<vmem>>, %arg22: memref<!tpu.dma_semaphore, #tpu.memory_space<semaphore_mem>>) attributes {dimension_semantics = [#tpu.dimension_semantics<core_parallel>, #tpu.dimension_semantics<subcore_parallel>], iteration_bounds = array<i64: 2, 16>, scalar_prefetch = 0 : i64, scratch_operands = 14 : i64, tpu.core_type = #tpu.core_type<sc_vector_subcore>, window_params = [{transform_indices = #map}, {transform_indices = #map}, {transform_indices = #map}, {transform_indices = #map}, {transform_indices = #map}, {transform_indices = #map}, {transform_indices = #map}]} {
    %eq3A = arith.constant 0 : i32
    %eq3A_0 = arith.cmpi eq, %arg1, %eq3A : i32
    %convert_element_type3A = arith.extui %eq3A_0 : i1 to i32
    %cond3A = arith.constant 0 : i32
    %cond3A_1 = arith.cmpi ne, %convert_element_type3A, %cond3A : i32
    scf.if %cond3A_1 {
      %scan3A = arith.constant 0 : i32
      %scan3A_2 = arith.constant 0 : i32
      %scan3A_3 = arith.constant 8 : i32
      %scan3A_4 = arith.addi %scan3A_2, %scan3A_3 : i32
      %scan3A_5 = arith.constant 1 : i32
      %scan3A_6 = scf.for %scan3A_8 = %scan3A_2 to %scan3A_4 step %scan3A_5 iter_args(%scan3A_9 = %scan3A) -> (i32)  : i32 {
        %mul3A = arith.constant 8 : i32
        %mul3A_10 = arith.muli %arg0, %mul3A : i32
        %add3A = arith.addi %mul3A_10, %scan3A_8 : i32
        %lt3A = arith.constant 16 : i32
        %lt3A_11 = arith.cmpi slt, %add3A, %lt3A : i32
        %convert_element_type3A_12 = arith.extui %lt3A_11 : i1 to i32
        %cond3A_13 = arith.constant 0 : i32
        %cond3A_14 = arith.cmpi ne, %convert_element_type3A_12, %cond3A_13 : i32
        scf.if %cond3A_14 {
          %mul3A_16 = arith.constant 100000 : i32
          %mul3A_17 = arith.muli %add3A, %mul3A_16 : i32
          %iota3A = tpu.iota {dimensions = array<i32: 0>} : vector<16xi32>
          %broadcast_in_dim3A = arith.constant 0 : i32
          %broadcast_in_dim3A_18 = vector.broadcast %broadcast_in_dim3A : i32 to vector<16xi32>
          %scan3A_19 = arith.constant 0 : i32
          %scan3A_20 = arith.constant 0 : i32
          %scan3A_21 = arith.constant 32 : i32
          %scan3A_22 = arith.addi %scan3A_20, %scan3A_21 : i32
          %scan3A_23 = arith.constant 1 : i32
          %scan3A_24 = scf.for %scan3A_373 = %scan3A_20 to %scan3A_22 step %scan3A_23 iter_args(%scan3A_374 = %scan3A_19) -> (i32)  : i32 {
            %mul3A_375 = arith.constant 16 : i32
            %mul3A_376 = arith.muli %scan3A_373, %mul3A_375 : i32
            %swap3A_377 = arith.index_cast %mul3A_376 : i32 to index
            %swap3A_378 = tpu.vector_load %arg18[%swap3A_377] {strides = array<i32>} : memref<512xi32, #tpu.memory_space<vmem>>, vector<16xi32>,
            tpu.vector_store %arg18[%swap3A_377], %broadcast_in_dim3A_18 {strides = array<i32>} : memref<512xi32, #tpu.memory_space<vmem>>, vector<16xi32>,
            %scan3A_379 = arith.constant 0 : i32
            scf.yield %scan3A_379 : i32
          }
          %scan3A_25 = arith.constant 32 : i32
          %broadcast_in_dim3A_26 = arith.constant 0 : i32
          %broadcast_in_dim3A_27 = vector.broadcast %broadcast_in_dim3A_26 : i32 to vector<16xi32>
          %scan3A_28 = arith.constant 0 : i32
          %scan3A_29 = arith.constant 0 : i32
          %scan3A_30 = arith.constant 32 : i32
          %scan3A_31 = arith.addi %scan3A_29, %scan3A_30 : i32
          %scan3A_32 = arith.constant 1 : i32
          %scan3A_33 = scf.for %scan3A_373 = %scan3A_29 to %scan3A_31 step %scan3A_32 iter_args(%scan3A_374 = %scan3A_28) -> (i32)  : i32 {
            %mul3A_375 = arith.constant 16 : i32
            %mul3A_376 = arith.muli %scan3A_373, %mul3A_375 : i32
            %swap3A_377 = arith.index_cast %mul3A_376 : i32 to index
            %swap3A_378 = tpu.vector_load %arg19[%swap3A_377] {strides = array<i32>} : memref<512xi32, #tpu.memory_space<vmem>>, vector<16xi32>,
            tpu.vector_store %arg19[%swap3A_377], %broadcast_in_dim3A_27 {strides = array<i32>} : memref<512xi32, #tpu.memory_space<vmem>>, vector<16xi32>,
            %scan3A_379 = arith.constant 0 : i32
            scf.yield %scan3A_379 : i32
          }
          %scan3A_34 = arith.constant 32 : i32
          %scan3A_35 = arith.constant 0 : i32
          %scan3A_36 = arith.constant 0 : i32
          %scan3A_37 = arith.constant 48 : i32
          %scan3A_38 = arith.addi %scan3A_36, %scan3A_37 : i32
          %scan3A_39 = arith.constant 1 : i32
          %scan3A_40 = scf.for %scan3A_373 = %scan3A_36 to %scan3A_38 step %scan3A_39 iter_args(%scan3A_374 = %scan3A_35) -> (i32)  : i32 {
            %mul3A_375 = arith.constant 2048 : i32
            %mul3A_376 = arith.muli %scan3A_373, %mul3A_375 : i32
            %add3A_377 = arith.addi %mul3A_17, %mul3A_376 : i32
            %mul3A_378 = arith.constant 3 : i32
            %mul3A_379 = arith.muli %add3A_377, %mul3A_378 : i32
            %dma_start3A_380 = arith.constant 0 : i32
            %dma_start3A_381 = tpu.memref_slice %arg9[%dma_start3A_380] : memref<6144xf32, #tpu.memory_space<vmem>> -> memref<6144xf32, #tpu.memory_space<vmem>>
            %dma_start3A_382 = tpu.memref_slice %arg2[%mul3A_379] : memref<4800000xf32, #tpu.memory_space<hbm>> -> memref<6144xf32, #tpu.memory_space<hbm>>
            %dma_start3A_383 = arith.constant 0 : i32
            %dma_start3A_384 = tpu.memref_slice %arg9[%dma_start3A_383] : memref<6144xf32, #tpu.memory_space<vmem>> -> memref<6144xf32, #tpu.memory_space<vmem>>
            %dma_start3A_385 = tpu.memref_slice %arg2[%mul3A_379] : memref<4800000xf32, #tpu.memory_space<hbm>> -> memref<6144xf32, #tpu.memory_space<hbm>>
            tpu.enqueue_dma source(%dma_start3A_385 : memref<6144xf32, #tpu.memory_space<hbm>>) target(%dma_start3A_384 : memref<6144xf32, #tpu.memory_space<vmem>>) target_semaphore(%arg22 : memref<!tpu.dma_semaphore, #tpu.memory_space<semaphore_mem>>)
            %dma_wait3A_386 = arith.constant 0 : i32
            %dma_wait3A_387 = tpu.memref_slice %arg9[%dma_wait3A_386] : memref<6144xf32, #tpu.memory_space<vmem>> -> memref<6144xf32, #tpu.memory_space<vmem>>
            %dma_wait3A_388 = tpu.memref_slice %arg2[%mul3A_379] : memref<4800000xf32, #tpu.memory_space<hbm>> -> memref<6144xf32, #tpu.memory_space<hbm>>
            %dma_wait3A_389 = arith.constant 0 : i32
            %dma_wait3A_390 = tpu.memref_slice %arg9[%dma_wait3A_389] : memref<6144xf32, #tpu.memory_space<vmem>> -> memref<6144xf32, #tpu.memory_space<vmem>>
            %dma_wait3A_391 = tpu.memref_slice %arg2[%mul3A_379] : memref<4800000xf32, #tpu.memory_space<hbm>> -> memref<6144xf32, #tpu.memory_space<hbm>>
            tpu.wait_dma2 semaphore(%arg22 : memref<!tpu.dma_semaphore, #tpu.memory_space<semaphore_mem>>) src(%dma_wait3A_391 : memref<6144xf32, #tpu.memory_space<hbm>>) dst(%dma_wait3A_390 : memref<6144xf32, #tpu.memory_space<vmem>>)
            %scan3A_392 = arith.constant 0 : i32
            %scan3A_393 = arith.constant 0 : i32
            %scan3A_394 = arith.constant 128 : i32
            %scan3A_395 = arith.addi %scan3A_393, %scan3A_394 : i32
            %scan3A_396 = arith.constant 1 : i32
            %scan3A_397 = scf.for %scan3A_426 = %scan3A_393 to %scan3A_395 step %scan3A_396 iter_args(%scan3A_427 = %scan3A_392) -> (i32)  : i32 {
              %mul3A_428 = arith.constant 16 : i32
              %mul3A_429 = arith.muli %scan3A_426, %mul3A_428 : i32
              %add3A_430 = vector.broadcast %mul3A_429 : i32 to vector<16xi32>
              %add3A_431 = arith.addi %add3A_430, %iota3A : vector<16xi32>
              %mul3A_432 = arith.constant 3 : i32
              %mul3A_433 = vector.broadcast %mul3A_432 : i32 to vector<16xi32>
              %mul3A_434 = arith.muli %add3A_431, %mul3A_433 : vector<16xi32>
              %gather3A_435 = tpu.vector_load_idx %arg9[%mul3A_434] : memref<6144xf32, #tpu.memory_space<vmem>>[vector<16xi32>], vector<16xf32>,
              %add3A_436 = arith.constant 1 : i32
              %add3A_437 = vector.broadcast %add3A_436 : i32 to vector<16xi32>
              %add3A_438 = arith.addi %mul3A_434, %add3A_437 : vector<16xi32>
              %gather3A_439 = tpu.vector_load_idx %arg9[%add3A_438] : memref<6144xf32, #tpu.memory_space<vmem>>[vector<16xi32>], vector<16xf32>,
              %add3A_440 = arith.constant 2 : i32
              %add3A_441 = vector.broadcast %add3A_440 : i32 to vector<16xi32>
              %add3A_442 = arith.addi %mul3A_434, %add3A_441 : vector<16xi32>
              %gather3A_443 = tpu.vector_load_idx %arg9[%add3A_442] : memref<6144xf32, #tpu.memory_space<vmem>>[vector<16xi32>], vector<16xf32>,
              %mul3A_444 = arith.constant 6.300000e+01 : f32
              %mul3A_445 = vector.broadcast %mul3A_444 : f32 to vector<16xf32>
              %mul3A_446 = arith.mulf %gather3A_435, %mul3A_445 : vector<16xf32>
              %convert_element_type3A_447 = arith.fptosi %mul3A_446 : vector<16xf32> to vector<16xi32>
              %mul3A_448 = arith.constant 6.300000e+01 : f32
              %mul3A_449 = vector.broadcast %mul3A_448 : f32 to vector<16xf32>
              %mul3A_450 = arith.mulf %gather3A_439, %mul3A_449 : vector<16xf32>
              %convert_element_type3A_451 = arith.fptosi %mul3A_450 : vector<16xf32> to vector<16xi32>
              %mul3A_452 = arith.constant 6.300000e+01 : f32
              %mul3A_453 = vector.broadcast %mul3A_452 : f32 to vector<16xf32>
              %mul3A_454 = arith.mulf %gather3A_443, %mul3A_453 : vector<16xf32>
              %convert_element_type3A_455 = arith.fptosi %mul3A_454 : vector<16xf32> to vector<16xi32>
              %mul3A_456 = arith.constant 4096 : i32
              %mul3A_457 = vector.broadcast %mul3A_456 : i32 to vector<16xi32>
              %mul3A_458 = arith.muli %convert_element_type3A_447, %mul3A_457 : vector<16xi32>
              %mul3A_459 = arith.constant 64 : i32
              %mul3A_460 = vector.broadcast %mul3A_459 : i32 to vector<16xi32>
              %mul3A_461 = arith.muli %convert_element_type3A_451, %mul3A_460 : vector<16xi32>
              %add3A_462 = arith.addi %mul3A_458, %mul3A_461 : vector<16xi32>
              %add3A_463 = arith.addi %add3A_462, %convert_element_type3A_455 : vector<16xi32>
              %mul3A_464 = arith.constant 10000 : i32
              %mul3A_465 = vector.broadcast %mul3A_464 : i32 to vector<16xi32>
              %mul3A_466 = arith.muli %convert_element_type3A_447, %mul3A_465 : vector<16xi32>
              %mul3A_467 = arith.constant 100 : i32
              %mul3A_468 = vector.broadcast %mul3A_467 : i32 to vector<16xi32>
              %mul3A_469 = arith.muli %convert_element_type3A_451, %mul3A_468 : vector<16xi32>
              %add3A_470 = arith.addi %mul3A_466, %mul3A_469 : vector<16xi32>
              %add3A_471 = arith.addi %add3A_470, %convert_element_type3A_455 : vector<16xi32>
              %mul3A_472 = arith.constant 16 : i32
              %mul3A_473 = arith.muli %scan3A_426, %mul3A_472 : i32
              %swap3A_474 = arith.index_cast %mul3A_473 : i32 to index
              %swap3A_475 = tpu.vector_load %arg10[%swap3A_474] {strides = array<i32>} : memref<2048xi32, #tpu.memory_space<vmem>>, vector<16xi32>,
              tpu.vector_store %arg10[%swap3A_474], %add3A_463 {strides = array<i32>} : memref<2048xi32, #tpu.memory_space<vmem>>, vector<16xi32>,
              %mul3A_476 = arith.constant 16 : i32
              %mul3A_477 = arith.muli %scan3A_426, %mul3A_476 : i32
              %swap3A_478 = arith.index_cast %mul3A_477 : i32 to index
              %swap3A_479 = tpu.vector_load %arg11[%swap3A_478] {strides = array<i32>} : memref<2048xi32, #tpu.memory_space<vmem>>, vector<16xi32>,
              tpu.vector_store %arg11[%swap3A_478], %add3A_471 {strides = array<i32>} : memref<2048xi32, #tpu.memory_space<vmem>>, vector<16xi32>,
              %and3A_480 = arith.constant 511 : i32
              %and3A_481 = vector.broadcast %and3A_480 : i32 to vector<16xi32>
              %and3A_482 = arith.andi %add3A_463, %and3A_481 : vector<16xi32>
              %broadcast_in_dim3A_483 = arith.constant true
              %broadcast_in_dim3A_484 = vector.broadcast %broadcast_in_dim3A_483 : i1 to vector<16xi1>
              %unique3A_485, %unique3A_486 = tpu.scan_count mask(%broadcast_in_dim3A_484 : vector<16xi1>) value(%and3A_482 : vector<16xi32>) : vector<16xi1>, vector<16xi32>
              tpu.vector_store_idx %arg18[%and3A_482], %unique3A_486 masked %unique3A_485 {add = true} : memref<512xi32, #tpu.memory_space<vmem>>[vector<16xi32>], vector<16xi32>, vector<16xi1>
              %shift_right_arithmetic3A_487 = arith.constant 9 : i32
              %shift_right_arithmetic3A_488 = vector.broadcast %shift_right_arithmetic3A_487 : i32 to vector<16xi32>
              %shift_right_arithmetic3A_489 = arith.shrsi %add3A_463, %shift_right_arithmetic3A_488 : vector<16xi32>
              %broadcast_in_dim3A_490 = arith.constant true
              %broadcast_in_dim3A_491 = vector.broadcast %broadcast_in_dim3A_490 : i1 to vector<16xi1>
              %unique3A_492, %unique3A_493 = tpu.scan_count mask(%broadcast_in_dim3A_491 : vector<16xi1>) value(%shift_right_arithmetic3A_489 : vector<16xi32>) : vector<16xi1>, vector<16xi32>
              tpu.vector_store_idx %arg19[%shift_right_arithmetic3A_489], %unique3A_493 masked %unique3A_492 {add = true} : memref<512xi32, #tpu.memory_space<vmem>>[vector<16xi32>], vector<16xi32>, vector<16xi1>
              %scan3A_494 = arith.constant 0 : i32
              scf.yield %scan3A_494 : i32
            }
            %scan3A_398 = arith.constant 128 : i32
            %add3A_399 = arith.addi %mul3A_17, %mul3A_376 : i32
            %dma_start3A_400 = arith.constant 0 : i32
            %dma_start3A_401 = tpu.memref_slice %arg10[%dma_start3A_400] : memref<2048xi32, #tpu.memory_space<vmem>> -> memref<2048xi32, #tpu.memory_space<vmem>>
            %dma_start3A_402 = tpu.memref_slice %arg6[%add3A_399] : memref<1600000xi32, #tpu.memory_space<hbm>> -> memref<2048xi32, #tpu.memory_space<hbm>>
            %dma_start3A_403 = tpu.memref_slice %arg6[%add3A_399] : memref<1600000xi32, #tpu.memory_space<hbm>> -> memref<2048xi32, #tpu.memory_space<hbm>>
            %dma_start3A_404 = arith.constant 0 : i32
            %dma_start3A_405 = tpu.memref_slice %arg10[%dma_start3A_404] : memref<2048xi32, #tpu.memory_space<vmem>> -> memref<2048xi32, #tpu.memory_space<vmem>>
            tpu.enqueue_dma source(%dma_start3A_405 : memref<2048xi32, #tpu.memory_space<vmem>>) target(%dma_start3A_403 : memref<2048xi32, #tpu.memory_space<hbm>>) target_semaphore(%arg22 : memref<!tpu.dma_semaphore, #tpu.memory_space<semaphore_mem>>)
            %add3A_406 = arith.addi %mul3A_17, %mul3A_376 : i32
            %dma_start3A_407 = arith.constant 0 : i32
            %dma_start3A_408 = tpu.memref_slice %arg11[%dma_start3A_407] : memref<2048xi32, #tpu.memory_space<vmem>> -> memref<2048xi32, #tpu.memory_space<vmem>>
            %dma_start3A_409 = tpu.memref_slice %arg3[%add3A_406] : memref<1600000xi32, #tpu.memory_space<hbm>> -> memref<2048xi32, #tpu.memory_space<hbm>>
            %dma_start3A_410 = tpu.memref_slice %arg3[%add3A_406] : memref<1600000xi32, #tpu.memory_space<hbm>> -> memref<2048xi32, #tpu.memory_space<hbm>>
            %dma_start3A_411 = arith.constant 0 : i32
            %dma_start3A_412 = tpu.memref_slice %arg11[%dma_start3A_411] : memref<2048xi32, #tpu.memory_space<vmem>> -> memref<2048xi32, #tpu.memory_space<vmem>>
            tpu.enqueue_dma source(%dma_start3A_412 : memref<2048xi32, #tpu.memory_space<vmem>>) target(%dma_start3A_410 : memref<2048xi32, #tpu.memory_space<hbm>>) target_semaphore(%arg22 : memref<!tpu.dma_semaphore, #tpu.memory_space<semaphore_mem>>)
            %dma_wait3A_413 = arith.constant 0 : i32
            %dma_wait3A_414 = tpu.memref_slice %arg10[%dma_wait3A_413] : memref<2048xi32, #tpu.memory_space<vmem>> -> memref<2048xi32, #tpu.memory_space<vmem>>
            %dma_wait3A_415 = tpu.memref_slice %arg6[%add3A_399] : memref<1600000xi32, #tpu.memory_space<hbm>> -> memref<2048xi32, #tpu.memory_space<hbm>>
            %dma_wait3A_416 = tpu.memref_slice %arg6[%add3A_399] : memref<1600000xi32, #tpu.memory_space<hbm>> -> memref<2048xi32, #tpu.memory_space<hbm>>
            %dma_wait3A_417 = arith.constant 0 : i32
            %dma_wait3A_418 = tpu.memref_slice %arg10[%dma_wait3A_417] : memref<2048xi32, #tpu.memory_space<vmem>> -> memref<2048xi32, #tpu.memory_space<vmem>>
            tpu.wait_dma2 semaphore(%arg22 : memref<!tpu.dma_semaphore, #tpu.memory_space<semaphore_mem>>) src(%dma_wait3A_418 : memref<2048xi32, #tpu.memory_space<vmem>>) dst(%dma_wait3A_416 : memref<2048xi32, #tpu.memory_space<hbm>>)
            %dma_wait3A_419 = arith.constant 0 : i32
            %dma_wait3A_420 = tpu.memref_slice %arg11[%dma_wait3A_419] : memref<2048xi32, #tpu.memory_space<vmem>> -> memref<2048xi32, #tpu.memory_space<vmem>>
            %dma_wait3A_421 = tpu.memref_slice %arg3[%add3A_406] : memref<1600000xi32, #tpu.memory_space<hbm>> -> memref<2048xi32, #tpu.memory_space<hbm>>
            %dma_wait3A_422 = tpu.memref_slice %arg3[%add3A_406] : memref<1600000xi32, #tpu.memory_space<hbm>> -> memref<2048xi32, #tpu.memory_space<hbm>>
            %dma_wait3A_423 = arith.constant 0 : i32
            %dma_wait3A_424 = tpu.memref_slice %arg11[%dma_wait3A_423] : memref<2048xi32, #tpu.memory_space<vmem>> -> memref<2048xi32, #tpu.memory_space<vmem>>
            tpu.wait_dma2 semaphore(%arg22 : memref<!tpu.dma_semaphore, #tpu.memory_space<semaphore_mem>>) src(%dma_wait3A_424 : memref<2048xi32, #tpu.memory_space<vmem>>) dst(%dma_wait3A_422 : memref<2048xi32, #tpu.memory_space<hbm>>)
            %scan3A_425 = arith.constant 0 : i32
            scf.yield %scan3A_425 : i32
          }
          %scan3A_41 = arith.constant 48 : i32
          %add3A_42 = arith.constant 98304 : i32
          %add3A_43 = arith.addi %mul3A_17, %add3A_42 : i32
          %mul3A_44 = arith.constant 3 : i32
          %mul3A_45 = arith.muli %add3A_43, %mul3A_44 : i32
          %dma_start3A = arith.constant 0 : i32
          %dma_start3A_46 = tpu.memref_slice %arg9[%dma_start3A] : memref<6144xf32, #tpu.memory_space<vmem>> -> memref<5088xf32, #tpu.memory_space<vmem>>
          %dma_start3A_47 = tpu.memref_slice %arg2[%mul3A_45] : memref<4800000xf32, #tpu.memory_space<hbm>> -> memref<5088xf32, #tpu.memory_space<hbm>>
          %dma_start3A_48 = arith.constant 0 : i32
          %dma_start3A_49 = tpu.memref_slice %arg9[%dma_start3A_48] : memref<6144xf32, #tpu.memory_space<vmem>> -> memref<5088xf32, #tpu.memory_space<vmem>>
          %dma_start3A_50 = tpu.memref_slice %arg2[%mul3A_45] : memref<4800000xf32, #tpu.memory_space<hbm>> -> memref<5088xf32, #tpu.memory_space<hbm>>
          tpu.enqueue_dma source(%dma_start3A_50 : memref<5088xf32, #tpu.memory_space<hbm>>) target(%dma_start3A_49 : memref<5088xf32, #tpu.memory_space<vmem>>) target_semaphore(%arg22 : memref<!tpu.dma_semaphore, #tpu.memory_space<semaphore_mem>>)
          %dma_wait3A = arith.constant 0 : i32
          %dma_wait3A_51 = tpu.memref_slice %arg9[%dma_wait3A] : memref<6144xf32, #tpu.memory_space<vmem>> -> memref<5088xf32, #tpu.memory_space<vmem>>
          %dma_wait3A_52 = tpu.memref_slice %arg2[%mul3A_45] : memref<4800000xf32, #tpu.memory_space<hbm>> -> memref<5088xf32, #tpu.memory_space<hbm>>
          %dma_wait3A_53 = arith.constant 0 : i32
          %dma_wait3A_54 = tpu.memref_slice %arg9[%dma_wait3A_53] : memref<6144xf32, #tpu.memory_space<vmem>> -> memref<5088xf32, #tpu.memory_space<vmem>>
          %dma_wait3A_55 = tpu.memref_slice %arg2[%mul3A_45] : memref<4800000xf32, #tpu.memory_space<hbm>> -> memref<5088xf32, #tpu.memory_space<hbm>>
          tpu.wait_dma2 semaphore(%arg22 : memref<!tpu.dma_semaphore, #tpu.memory_space<semaphore_mem>>) src(%dma_wait3A_55 : memref<5088xf32, #tpu.memory_space<hbm>>) dst(%dma_wait3A_54 : memref<5088xf32, #tpu.memory_space<vmem>>)
          %scan3A_56 = arith.constant 0 : i32
          %scan3A_57 = arith.constant 0 : i32
          %scan3A_58 = arith.constant 106 : i32
          %scan3A_59 = arith.addi %scan3A_57, %scan3A_58 : i32
          %scan3A_60 = arith.constant 1 : i32
          %scan3A_61 = scf.for %scan3A_373 = %scan3A_57 to %scan3A_59 step %scan3A_60 iter_args(%scan3A_374 = %scan3A_56) -> (i32)  : i32 {
            %mul3A_375 = arith.constant 16 : i32
            %mul3A_376 = arith.muli %scan3A_373, %mul3A_375 : i32
            %add3A_377 = vector.broadcast %mul3A_376 : i32 to vector<16xi32>
            %add3A_378 = arith.addi %add3A_377, %iota3A : vector<16xi32>
            %mul3A_379 = arith.constant 3 : i32
            %mul3A_380 = vector.broadcast %mul3A_379 : i32 to vector<16xi32>
            %mul3A_381 = arith.muli %add3A_378, %mul3A_380 : vector<16xi32>
            %gather3A_382 = tpu.vector_load_idx %arg9[%mul3A_381] : memref<6144xf32, #tpu.memory_space<vmem>>[vector<16xi32>], vector<16xf32>,
            %add3A_383 = arith.constant 1 : i32
            %add3A_384 = vector.broadcast %add3A_383 : i32 to vector<16xi32>
            %add3A_385 = arith.addi %mul3A_381, %add3A_384 : vector<16xi32>
            %gather3A_386 = tpu.vector_load_idx %arg9[%add3A_385] : memref<6144xf32, #tpu.memory_space<vmem>>[vector<16xi32>], vector<16xf32>,
            %add3A_387 = arith.constant 2 : i32
            %add3A_388 = vector.broadcast %add3A_387 : i32 to vector<16xi32>
            %add3A_389 = arith.addi %mul3A_381, %add3A_388 : vector<16xi32>
            %gather3A_390 = tpu.vector_load_idx %arg9[%add3A_389] : memref<6144xf32, #tpu.memory_space<vmem>>[vector<16xi32>], vector<16xf32>,
            %mul3A_391 = arith.constant 6.300000e+01 : f32
            %mul3A_392 = vector.broadcast %mul3A_391 : f32 to vector<16xf32>
            %mul3A_393 = arith.mulf %gather3A_382, %mul3A_392 : vector<16xf32>
            %convert_element_type3A_394 = arith.fptosi %mul3A_393 : vector<16xf32> to vector<16xi32>
            %mul3A_395 = arith.constant 6.300000e+01 : f32
            %mul3A_396 = vector.broadcast %mul3A_395 : f32 to vector<16xf32>
            %mul3A_397 = arith.mulf %gather3A_386, %mul3A_396 : vector<16xf32>
            %convert_element_type3A_398 = arith.fptosi %mul3A_397 : vector<16xf32> to vector<16xi32>
            %mul3A_399 = arith.constant 6.300000e+01 : f32
            %mul3A_400 = vector.broadcast %mul3A_399 : f32 to vector<16xf32>
            %mul3A_401 = arith.mulf %gather3A_390, %mul3A_400 : vector<16xf32>
            %convert_element_type3A_402 = arith.fptosi %mul3A_401 : vector<16xf32> to vector<16xi32>
            %mul3A_403 = arith.constant 4096 : i32
            %mul3A_404 = vector.broadcast %mul3A_403 : i32 to vector<16xi32>
            %mul3A_405 = arith.muli %convert_element_type3A_394, %mul3A_404 : vector<16xi32>
            %mul3A_406 = arith.constant 64 : i32
            %mul3A_407 = vector.broadcast %mul3A_406 : i32 to vector<16xi32>
            %mul3A_408 = arith.muli %convert_element_type3A_398, %mul3A_407 : vector<16xi32>
            %add3A_409 = arith.addi %mul3A_405, %mul3A_408 : vector<16xi32>
            %add3A_410 = arith.addi %add3A_409, %convert_element_type3A_402 : vector<16xi32>
            %mul3A_411 = arith.constant 10000 : i32
            %mul3A_412 = vector.broadcast %mul3A_411 : i32 to vector<16xi32>
            %mul3A_413 = arith.muli %convert_element_type3A_394, %mul3A_412 : vector<16xi32>
            %mul3A_414 = arith.constant 100 : i32
            %mul3A_415 = vector.broadcast %mul3A_414 : i32 to vector<16xi32>
            %mul3A_416 = arith.muli %convert_element_type3A_398, %mul3A_415 : vector<16xi32>
            %add3A_417 = arith.addi %mul3A_413, %mul3A_416 : vector<16xi32>
            %add3A_418 = arith.addi %add3A_417, %convert_element_type3A_402 : vector<16xi32>
            %mul3A_419 = arith.constant 16 : i32
            %mul3A_420 = arith.muli %scan3A_373, %mul3A_419 : i32
            %swap3A_421 = arith.index_cast %mul3A_420 : i32 to index
            %swap3A_422 = tpu.vector_load %arg10[%swap3A_421] {strides = array<i32>} : memref<2048xi32, #tpu.memory_space<vmem>>, vector<16xi32>,
            tpu.vector_store %arg10[%swap3A_421], %add3A_410 {strides = array<i32>} : memref<2048xi32, #tpu.memory_space<vmem>>, vector<16xi32>,
            %mul3A_423 = arith.constant 16 : i32
            %mul3A_424 = arith.muli %scan3A_373, %mul3A_423 : i32
            %swap3A_425 = arith.index_cast %mul3A_424 : i32 to index
            %swap3A_426 = tpu.vector_load %arg11[%swap3A_425] {strides = array<i32>} : memref<2048xi32, #tpu.memory_space<vmem>>, vector<16xi32>,
            tpu.vector_store %arg11[%swap3A_425], %add3A_418 {strides = array<i32>} : memref<2048xi32, #tpu.memory_space<vmem>>, vector<16xi32>,
            %and3A_427 = arith.constant 511 : i32
            %and3A_428 = vector.broadcast %and3A_427 : i32 to vector<16xi32>
            %and3A_429 = arith.andi %add3A_410, %and3A_428 : vector<16xi32>
            %broadcast_in_dim3A_430 = arith.constant true
            %broadcast_in_dim3A_431 = vector.broadcast %broadcast_in_dim3A_430 : i1 to vector<16xi1>
            %unique3A_432, %unique3A_433 = tpu.scan_count mask(%broadcast_in_dim3A_431 : vector<16xi1>) value(%and3A_429 : vector<16xi32>) : vector<16xi1>, vector<16xi32>
            tpu.vector_store_idx %arg18[%and3A_429], %unique3A_433 masked %unique3A_432 {add = true} : memref<512xi32, #tpu.memory_space<vmem>>[vector<16xi32>], vector<16xi32>, vector<16xi1>
            %shift_right_arithmetic3A_434 = arith.constant 9 : i32
            %shift_right_arithmetic3A_435 = vector.broadcast %shift_right_arithmetic3A_434 : i32 to vector<16xi32>
            %shift_right_arithmetic3A_436 = arith.shrsi %add3A_410, %shift_right_arithmetic3A_435 : vector<16xi32>
            %broadcast_in_dim3A_437 = arith.constant true
            %broadcast_in_dim3A_438 = vector.broadcast %broadcast_in_dim3A_437 : i1 to vector<16xi1>
            %unique3A_439, %unique3A_440 = tpu.scan_count mask(%broadcast_in_dim3A_438 : vector<16xi1>) value(%shift_right_arithmetic3A_436 : vector<16xi32>) : vector<16xi1>, vector<16xi32>
            tpu.vector_store_idx %arg19[%shift_right_arithmetic3A_436], %unique3A_440 masked %unique3A_439 {add = true} : memref<512xi32, #tpu.memory_space<vmem>>[vector<16xi32>], vector<16xi32>, vector<16xi1>
            %scan3A_441 = arith.constant 0 : i32
            scf.yield %scan3A_441 : i32
          }
          %scan3A_62 = arith.constant 106 : i32
          %add3A_63 = arith.constant 98304 : i32
          %add3A_64 = arith.addi %mul3A_17, %add3A_63 : i32
          %dma_start3A_65 = arith.constant 0 : i32
          %dma_start3A_66 = tpu.memref_slice %arg10[%dma_start3A_65] : memref<2048xi32, #tpu.memory_space<vmem>> -> memref<1696xi32, #tpu.memory_space<vmem>>
          %dma_start3A_67 = tpu.memref_slice %arg6[%add3A_64] : memref<1600000xi32, #tpu.memory_space<hbm>> -> memref<1696xi32, #tpu.memory_space<hbm>>
          %dma_start3A_68 = tpu.memref_slice %arg6[%add3A_64] : memref<1600000xi32, #tpu.memory_space<hbm>> -> memref<1696xi32, #tpu.memory_space<hbm>>
          %dma_start3A_69 = arith.constant 0 : i32
          %dma_start3A_70 = tpu.memref_slice %arg10[%dma_start3A_69] : memref<2048xi32, #tpu.memory_space<vmem>> -> memref<1696xi32, #tpu.memory_space<vmem>>
          tpu.enqueue_dma source(%dma_start3A_70 : memref<1696xi32, #tpu.memory_space<vmem>>) target(%dma_start3A_68 : memref<1696xi32, #tpu.memory_space<hbm>>) target_semaphore(%arg22 : memref<!tpu.dma_semaphore, #tpu.memory_space<semaphore_mem>>)
          %add3A_71 = arith.constant 98304 : i32
          %add3A_72 = arith.addi %mul3A_17, %add3A_71 : i32
          %dma_start3A_73 = arith.constant 0 : i32
          %dma_start3A_74 = tpu.memref_slice %arg11[%dma_start3A_73] : memref<2048xi32, #tpu.memory_space<vmem>> -> memref<1696xi32, #tpu.memory_space<vmem>>
          %dma_start3A_75 = tpu.memref_slice %arg3[%add3A_72] : memref<1600000xi32, #tpu.memory_space<hbm>> -> memref<1696xi32, #tpu.memory_space<hbm>>
          %dma_start3A_76 = tpu.memref_slice %arg3[%add3A_72] : memref<1600000xi32, #tpu.memory_space<hbm>> -> memref<1696xi32, #tpu.memory_space<hbm>>
          %dma_start3A_77 = arith.constant 0 : i32
          %dma_start3A_78 = tpu.memref_slice %arg11[%dma_start3A_77] : memref<2048xi32, #tpu.memory_space<vmem>> -> memref<1696xi32, #tpu.memory_space<vmem>>
          tpu.enqueue_dma source(%dma_start3A_78 : memref<1696xi32, #tpu.memory_space<vmem>>) target(%dma_start3A_76 : memref<1696xi32, #tpu.memory_space<hbm>>) target_semaphore(%arg22 : memref<!tpu.dma_semaphore, #tpu.memory_space<semaphore_mem>>)
          %dma_wait3A_79 = arith.constant 0 : i32
          %dma_wait3A_80 = tpu.memref_slice %arg10[%dma_wait3A_79] : memref<2048xi32, #tpu.memory_space<vmem>> -> memref<1696xi32, #tpu.memory_space<vmem>>
          %dma_wait3A_81 = tpu.memref_slice %arg6[%add3A_64] : memref<1600000xi32, #tpu.memory_space<hbm>> -> memref<1696xi32, #tpu.memory_space<hbm>>
          %dma_wait3A_82 = tpu.memref_slice %arg6[%add3A_64] : memref<1600000xi32, #tpu.memory_space<hbm>> -> memref<1696xi32, #tpu.memory_space<hbm>>
          %dma_wait3A_83 = arith.constant 0 : i32
          %dma_wait3A_84 = tpu.memref_slice %arg10[%dma_wait3A_83] : memref<2048xi32, #tpu.memory_space<vmem>> -> memref<1696xi32, #tpu.memory_space<vmem>>
          tpu.wait_dma2 semaphore(%arg22 : memref<!tpu.dma_semaphore, #tpu.memory_space<semaphore_mem>>) src(%dma_wait3A_84 : memref<1696xi32, #tpu.memory_space<vmem>>) dst(%dma_wait3A_82 : memref<1696xi32, #tpu.memory_space<hbm>>)
          %dma_wait3A_85 = arith.constant 0 : i32
          %dma_wait3A_86 = tpu.memref_slice %arg11[%dma_wait3A_85] : memref<2048xi32, #tpu.memory_space<vmem>> -> memref<1696xi32, #tpu.memory_space<vmem>>
          %dma_wait3A_87 = tpu.memref_slice %arg3[%add3A_72] : memref<1600000xi32, #tpu.memory_space<hbm>> -> memref<1696xi32, #tpu.memory_space<hbm>>
          %dma_wait3A_88 = tpu.memref_slice %arg3[%add3A_72] : memref<1600000xi32, #tpu.memory_space<hbm>> -> memref<1696xi32, #tpu.memory_space<hbm>>
          %dma_wait3A_89 = arith.constant 0 : i32
          %dma_wait3A_90 = tpu.memref_slice %arg11[%dma_wait3A_89] : memref<2048xi32, #tpu.memory_space<vmem>> -> memref<1696xi32, #tpu.memory_space<vmem>>
          tpu.wait_dma2 semaphore(%arg22 : memref<!tpu.dma_semaphore, #tpu.memory_space<semaphore_mem>>) src(%dma_wait3A_90 : memref<1696xi32, #tpu.memory_space<vmem>>) dst(%dma_wait3A_88 : memref<1696xi32, #tpu.memory_space<hbm>>)
          %scan3A_91 = arith.constant 0 : i32
          %scan3A_92 = arith.constant 32 : i32
          %scan3A_93 = arith.addi %scan3A_91, %scan3A_92 : i32
          %scan3A_94 = arith.constant 1 : i32
          %scan3A_95 = scf.for %scan3A_373 = %scan3A_91 to %scan3A_93 step %scan3A_94 iter_args(%scan3A_374 = %mul3A_17) -> (i32)  : i32 {
            %mul3A_375 = arith.constant 16 : i32
            %mul3A_376 = arith.muli %scan3A_373, %mul3A_375 : i32
            %get3A_377 = arith.index_cast %mul3A_376 : i32 to index
            %get3A_378 = tpu.vector_load %arg18[%get3A_377] {strides = array<i32>} : memref<512xi32, #tpu.memory_space<vmem>>, vector<16xi32>,
            %broadcast_in_dim3A_379 = arith.constant true
            %broadcast_in_dim3A_380 = vector.broadcast %broadcast_in_dim3A_379 : i1 to vector<16xi1>
            %masked_cumsum3A = tpu.scan <sum>, %get3A_378 masked %broadcast_in_dim3A_380 : vector<16xi32>, vector<16xi1> -> vector<16xi32>
            %sub3A_381 = arith.subi %masked_cumsum3A, %get3A_378 : vector<16xi32>
            %broadcast_in_dim3A_382 = vector.broadcast %scan3A_374 : i32 to vector<16xi32>
            %add3A_383 = arith.addi %sub3A_381, %broadcast_in_dim3A_382 : vector<16xi32>
            %mul3A_384 = arith.constant 16 : i32
            %mul3A_385 = arith.muli %scan3A_373, %mul3A_384 : i32
            %swap3A_386 = arith.index_cast %mul3A_385 : i32 to index
            %swap3A_387 = tpu.vector_load %arg20[%swap3A_386] {strides = array<i32>} : memref<512xi32, #tpu.memory_space<vmem>>, vector<16xi32>,
            tpu.vector_store %arg20[%swap3A_386], %add3A_383 {strides = array<i32>} : memref<512xi32, #tpu.memory_space<vmem>>, vector<16xi32>,
            %reduce_sum3A = arith.constant true
            %reduce_sum3A_388 = vector.broadcast %reduce_sum3A : i1 to vector<16xi1>
            %reduce_sum3A_389 = tpu.scan <sum>, %get3A_378 masked %reduce_sum3A_388 : vector<16xi32>, vector<16xi1> -> vector<16xi32>
            %reduce_sum3A_390 = vector.extract %reduce_sum3A_389[15] : i32 from vector<16xi32>
            %add3A_391 = arith.addi %scan3A_374, %reduce_sum3A_390 : i32
            scf.yield %add3A_391 : i32
          }
          %scan3A_96 = arith.constant 32 : i32
          %scan3A_97 = arith.constant 0 : i32
          %scan3A_98 = arith.constant 32 : i32
          %scan3A_99 = arith.addi %scan3A_97, %scan3A_98 : i32
          %scan3A_100 = arith.constant 1 : i32
          %scan3A_101 = scf.for %scan3A_373 = %scan3A_97 to %scan3A_99 step %scan3A_100 iter_args(%scan3A_374 = %mul3A_17) -> (i32)  : i32 {
            %mul3A_375 = arith.constant 16 : i32
            %mul3A_376 = arith.muli %scan3A_373, %mul3A_375 : i32
            %get3A_377 = arith.index_cast %mul3A_376 : i32 to index
            %get3A_378 = tpu.vector_load %arg19[%get3A_377] {strides = array<i32>} : memref<512xi32, #tpu.memory_space<vmem>>, vector<16xi32>,
            %broadcast_in_dim3A_379 = arith.constant true
            %broadcast_in_dim3A_380 = vector.broadcast %broadcast_in_dim3A_379 : i1 to vector<16xi1>
            %masked_cumsum3A = tpu.scan <sum>, %get3A_378 masked %broadcast_in_dim3A_380 : vector<16xi32>, vector<16xi1> -> vector<16xi32>
            %sub3A_381 = arith.subi %masked_cumsum3A, %get3A_378 : vector<16xi32>
            %broadcast_in_dim3A_382 = vector.broadcast %scan3A_374 : i32 to vector<16xi32>
            %add3A_383 = arith.addi %sub3A_381, %broadcast_in_dim3A_382 : vector<16xi32>
            %mul3A_384 = arith.constant 16 : i32
            %mul3A_385 = arith.muli %scan3A_373, %mul3A_384 : i32
            %swap3A_386 = arith.index_cast %mul3A_385 : i32 to index
            %swap3A_387 = tpu.vector_load %arg21[%swap3A_386] {strides = array<i32>} : memref<512xi32, #tpu.memory_space<vmem>>, vector<16xi32>,
            tpu.vector_store %arg21[%swap3A_386], %add3A_383 {strides = array<i32>} : memref<512xi32, #tpu.memory_space<vmem>>, vector<16xi32>,
            %reduce_sum3A = arith.constant true
            %reduce_sum3A_388 = vector.broadcast %reduce_sum3A : i1 to vector<16xi1>
            %reduce_sum3A_389 = tpu.scan <sum>, %get3A_378 masked %reduce_sum3A_388 : vector<16xi32>, vector<16xi1> -> vector<16xi32>
            %reduce_sum3A_390 = vector.extract %reduce_sum3A_389[15] : i32 from vector<16xi32>
            %add3A_391 = arith.addi %scan3A_374, %reduce_sum3A_390 : i32
            scf.yield %add3A_391 : i32
          }
          %scan3A_102 = arith.constant 32 : i32
          %scan3A_103 = arith.constant 0 : i32
          %scan3A_104 = arith.constant 0 : i32
          %scan3A_105 = arith.constant 48 : i32
          %scan3A_106 = arith.addi %scan3A_104, %scan3A_105 : i32
          %scan3A_107 = arith.constant 1 : i32
          %scan3A_108 = scf.for %scan3A_373 = %scan3A_104 to %scan3A_106 step %scan3A_107 iter_args(%scan3A_374 = %scan3A_103) -> (i32)  : i32 {
            %mul3A_375 = arith.constant 2048 : i32
            %mul3A_376 = arith.muli %scan3A_373, %mul3A_375 : i32
            %add3A_377 = arith.addi %mul3A_17, %mul3A_376 : i32
            %dma_start3A_378 = arith.constant 0 : i32
            %dma_start3A_379 = tpu.memref_slice %arg10[%dma_start3A_378] : memref<2048xi32, #tpu.memory_space<vmem>> -> memref<2048xi32, #tpu.memory_space<vmem>>
            %dma_start3A_380 = tpu.memref_slice %arg6[%add3A_377] : memref<1600000xi32, #tpu.memory_space<hbm>> -> memref<2048xi32, #tpu.memory_space<hbm>>
            %dma_start3A_381 = arith.constant 0 : i32
            %dma_start3A_382 = tpu.memref_slice %arg10[%dma_start3A_381] : memref<2048xi32, #tpu.memory_space<vmem>> -> memref<2048xi32, #tpu.memory_space<vmem>>
            %dma_start3A_383 = tpu.memref_slice %arg6[%add3A_377] : memref<1600000xi32, #tpu.memory_space<hbm>> -> memref<2048xi32, #tpu.memory_space<hbm>>
            tpu.enqueue_dma source(%dma_start3A_383 : memref<2048xi32, #tpu.memory_space<hbm>>) target(%dma_start3A_382 : memref<2048xi32, #tpu.memory_space<vmem>>) target_semaphore(%arg22 : memref<!tpu.dma_semaphore, #tpu.memory_space<semaphore_mem>>)
            %dma_wait3A_384 = arith.constant 0 : i32
            %dma_wait3A_385 = tpu.memref_slice %arg10[%dma_wait3A_384] : memref<2048xi32, #tpu.memory_space<vmem>> -> memref<2048xi32, #tpu.memory_space<vmem>>
            %dma_wait3A_386 = tpu.memref_slice %arg6[%add3A_377] : memref<1600000xi32, #tpu.memory_space<hbm>> -> memref<2048xi32, #tpu.memory_space<hbm>>
            %dma_wait3A_387 = arith.constant 0 : i32
            %dma_wait3A_388 = tpu.memref_slice %arg10[%dma_wait3A_387] : memref<2048xi32, #tpu.memory_space<vmem>> -> memref<2048xi32, #tpu.memory_space<vmem>>
            %dma_wait3A_389 = tpu.memref_slice %arg6[%add3A_377] : memref<1600000xi32, #tpu.memory_space<hbm>> -> memref<2048xi32, #tpu.memory_space<hbm>>
            tpu.wait_dma2 semaphore(%arg22 : memref<!tpu.dma_semaphore, #tpu.memory_space<semaphore_mem>>) src(%dma_wait3A_389 : memref<2048xi32, #tpu.memory_space<hbm>>) dst(%dma_wait3A_388 : memref<2048xi32, #tpu.memory_space<vmem>>)
            %scan3A_390 = arith.constant 0 : i32
            %scan3A_391 = arith.constant 0 : i32
            %scan3A_392 = arith.constant 128 : i32
            %scan3A_393 = arith.addi %scan3A_391, %scan3A_392 : i32
            %scan3A_394 = arith.constant 1 : i32
            %scan3A_395 = scf.for %scan3A_421 = %scan3A_391 to %scan3A_393 step %scan3A_394 iter_args(%scan3A_422 = %scan3A_390) -> (i32)  : i32 {
              %jit3A = arith.constant 8 : i32
              %div3A = arith.divsi %scan3A_421, %jit3A : i32
              %sign3A = arith.constant 0 : i32
              %sign3A_423 = arith.cmpi sgt, %scan3A_421, %sign3A : i32
              %sign3A_424 = arith.extui %sign3A_423 : i1 to i32
              %sign3A_425 = arith.constant 0 : i32
              %sign3A_426 = arith.cmpi slt, %scan3A_421, %sign3A_425 : i32
              %sign3A_427 = arith.extui %sign3A_426 : i1 to i32
              %sign3A_428 = arith.subi %sign3A_424, %sign3A_427 : i32
              %sign3A_429 = arith.constant 0 : i32
              %sign3A_430 = arith.cmpi sgt, %jit3A, %sign3A_429 : i32
              %sign3A_431 = arith.extui %sign3A_430 : i1 to i32
              %sign3A_432 = arith.constant 0 : i32
              %sign3A_433 = arith.cmpi slt, %jit3A, %sign3A_432 : i32
              %sign3A_434 = arith.extui %sign3A_433 : i1 to i32
              %sign3A_435 = arith.subi %sign3A_431, %sign3A_434 : i32
              %ne3A = arith.cmpi ne, %sign3A_428, %sign3A_435 : i32
              %rem3A = arith.remsi %scan3A_421, %jit3A : i32
              %ne3A_436 = arith.constant 0 : i32
              %ne3A_437 = arith.cmpi ne, %rem3A, %ne3A_436 : i32
              %and3A_438 = arith.andi %ne3A, %ne3A_437 : i1
              %sub3A_439 = arith.constant 1 : i32
              %sub3A_440 = arith.subi %div3A, %sub3A_439 : i32
              %select_n3A = arith.select %and3A_438, %sub3A_440, %div3A : i32
              %jit3A_441 = arith.constant 8 : i32
              %eq3A_442 = arith.constant 0 : i32
              %eq3A_443 = arith.cmpi eq, %jit3A_441, %eq3A_442 : i32
              %jit3A_444 = arith.constant 1 : i32
              %select_n3A_445 = arith.select %eq3A_443, %jit3A_444, %jit3A_441 : i32
              %rem3A_446 = arith.remsi %scan3A_421, %select_n3A_445 : i32
              %ne3A_447 = arith.constant 0 : i32
              %ne3A_448 = arith.cmpi ne, %rem3A_446, %ne3A_447 : i32
              %lt3A_449 = arith.constant 0 : i32
              %lt3A_450 = arith.cmpi slt, %rem3A_446, %lt3A_449 : i32
              %lt3A_451 = arith.constant 0 : i32
              %lt3A_452 = arith.cmpi slt, %select_n3A_445, %lt3A_451 : i32
              %ne3A_453 = arith.xori %lt3A_450, %lt3A_452 : i1
              %and3A_454 = arith.andi %ne3A_453, %ne3A_448 : i1
              %add3A_455 = arith.addi %rem3A_446, %select_n3A_445 : i32
              %select_n3A_456 = arith.select %and3A_454, %add3A_455, %rem3A_446 : i32
              %mul3A_457 = arith.constant 16 : i32
              %mul3A_458 = arith.muli %select_n3A_456, %mul3A_457 : i32
              %mul3A_459 = arith.constant 16 : i32
              %mul3A_460 = arith.muli %scan3A_421, %mul3A_459 : i32
              %get3A_461 = arith.index_cast %mul3A_460 : i32 to index
              %get3A_462 = tpu.vector_load %arg10[%get3A_461] {strides = array<i32>} : memref<2048xi32, #tpu.memory_space<vmem>>, vector<16xi32>,
              %and3A_463 = arith.constant 511 : i32
              %and3A_464 = vector.broadcast %and3A_463 : i32 to vector<16xi32>
              %and3A_465 = arith.andi %get3A_462, %and3A_464 : vector<16xi32>
              %broadcast_in_dim3A_466 = arith.constant true
              %broadcast_in_dim3A_467 = vector.broadcast %broadcast_in_dim3A_466 : i1 to vector<16xi1>
              %unique3A_468, %unique3A_469 = tpu.scan_count mask(%broadcast_in_dim3A_467 : vector<16xi1>) value(%and3A_465 : vector<16xi32>) : vector<16xi1>, vector<16xi32>
              %gather3A_470 = tpu.vector_load_idx %arg20[%and3A_465] : memref<512xi32, #tpu.memory_space<vmem>>[vector<16xi32>], vector<16xi32>,
              %add3A_471 = arith.addi %gather3A_470, %unique3A_469 : vector<16xi32>
              %sub3A_472 = arith.constant 1 : i32
              %sub3A_473 = vector.broadcast %sub3A_472 : i32 to vector<16xi32>
              %sub3A_474 = arith.subi %add3A_471, %sub3A_473 : vector<16xi32>
              tpu.vector_store_idx %arg20[%and3A_465], %unique3A_469 masked %unique3A_468 {add = true} : memref<512xi32, #tpu.memory_space<vmem>>[vector<16xi32>], vector<16xi32>, vector<16xi1>
              %mul3A_475 = arith.constant 16 : i32
              %mul3A_476 = arith.muli %scan3A_421, %mul3A_475 : i32
              %add3A_477 = arith.addi %mul3A_376, %mul3A_476 : i32
              %add3A_478 = vector.broadcast %add3A_477 : i32 to vector<16xi32>
              %add3A_479 = arith.addi %add3A_478, %iota3A : vector<16xi32>
              %swap3A_480 = arith.index_cast %select_n3A : i32 to index
              %swap3A_481 = arith.index_cast %mul3A_458 : i32 to index
              %swap3A_482 = tpu.vector_load %arg12[%swap3A_480, %swap3A_481] {strides = array<i32>} : memref<16x128xi32, #tpu.memory_space<vmem>>, vector<16xi32>,
              tpu.vector_store %arg12[%swap3A_480, %swap3A_481], %sub3A_474 {strides = array<i32>} : memref<16x128xi32, #tpu.memory_space<vmem>>, vector<16xi32>,
              %swap3A_483 = arith.index_cast %select_n3A : i32 to index
              %swap3A_484 = arith.index_cast %mul3A_458 : i32 to index
              %swap3A_485 = tpu.vector_load %arg13[%swap3A_483, %swap3A_484] {strides = array<i32>} : memref<16x128xi32, #tpu.memory_space<vmem>>, vector<16xi32>,
              tpu.vector_store %arg13[%swap3A_483, %swap3A_484], %get3A_462 {strides = array<i32>} : memref<16x128xi32, #tpu.memory_space<vmem>>, vector<16xi32>,
              %swap3A_486 = arith.index_cast %select_n3A : i32 to index
              %swap3A_487 = arith.index_cast %mul3A_458 : i32 to index
              %swap3A_488 = tpu.vector_load %arg14[%swap3A_486, %swap3A_487] {strides = array<i32>} : memref<16x128xi32, #tpu.memory_space<vmem>>, vector<16xi32>,
              tpu.vector_store %arg14[%swap3A_486, %swap3A_487], %add3A_479 {strides = array<i32>} : memref<16x128xi32, #tpu.memory_space<vmem>>, vector<16xi32>,
              %scan3A_489 = arith.constant 0 : i32
              scf.yield %scan3A_489 : i32
            }
            %scan3A_396 = arith.constant 128 : i32
            %scan3A_397 = arith.constant 0 : i32
            %scan3A_398 = arith.constant 0 : i32
            %scan3A_399 = arith.constant 16 : i32
            %scan3A_400 = arith.addi %scan3A_398, %scan3A_399 : i32
            %scan3A_401 = arith.constant 1 : i32
            %scan3A_402 = scf.for %scan3A_421 = %scan3A_398 to %scan3A_400 step %scan3A_401 iter_args(%scan3A_422 = %scan3A_397) -> (i32)  : i32 {
              %dma_start3A_423 = arith.constant 0 : i32
              %dma_start3A_424 = tpu.memref_slice %arg13[%scan3A_421, %dma_start3A_423] : memref<16x128xi32, #tpu.memory_space<vmem>> -> memref<1x128xi32, #tpu.memory_space<vmem>>
              %dma_start3A_425 = tpu.memref_squeeze %dma_start3A_424 : memref<1x128xi32, #tpu.memory_space<vmem>> -> memref<128xi32, #tpu.memory_space<vmem>>
              %dma_start3A_426 = arith.constant 0 : i32
              %dma_start3A_427 = tpu.memref_slice %arg12[%scan3A_421, %dma_start3A_426] : memref<16x128xi32, #tpu.memory_space<vmem>> -> memref<1x128xi32, #tpu.memory_space<vmem>>
              %dma_start3A_428 = tpu.memref_squeeze %dma_start3A_427 : memref<1x128xi32, #tpu.memory_space<vmem>> -> memref<128xi32, #tpu.memory_space<vmem>>
              %dma_start3A_429 = arith.constant 0 : i32
              %dma_start3A_430 = tpu.memref_slice %arg7[%dma_start3A_429] : memref<1600000xi32, #tpu.memory_space<hbm>> -> memref<1600000xi32, #tpu.memory_space<hbm>>
              tpu.enqueue_indirect_dma source(%dma_start3A_425 : memref<128xi32, #tpu.memory_space<vmem>>) target(%dma_start3A_430 : memref<1600000xi32, #tpu.memory_space<hbm>>) offsets(%dma_start3A_428 : memref<128xi32, #tpu.memory_space<vmem>>) semaphore(%arg22 : memref<!tpu.dma_semaphore, #tpu.memory_space<semaphore_mem>>)
              %dma_start3A_431 = arith.constant 0 : i32
              %dma_start3A_432 = tpu.memref_slice %arg14[%scan3A_421, %dma_start3A_431] : memref<16x128xi32, #tpu.memory_space<vmem>> -> memref<1x128xi32, #tpu.memory_space<vmem>>
              %dma_start3A_433 = tpu.memref_squeeze %dma_start3A_432 : memref<1x128xi32, #tpu.memory_space<vmem>> -> memref<128xi32, #tpu.memory_space<vmem>>
              %dma_start3A_434 = arith.constant 0 : i32
              %dma_start3A_435 = tpu.memref_slice %arg12[%scan3A_421, %dma_start3A_434] : memref<16x128xi32, #tpu.memory_space<vmem>> -> memref<1x128xi32, #tpu.memory_space<vmem>>
              %dma_start3A_436 = tpu.memref_squeeze %dma_start3A_435 : memref<1x128xi32, #tpu.memory_space<vmem>> -> memref<128xi32, #tpu.memory_space<vmem>>
              %dma_start3A_437 = arith.constant 0 : i32
              %dma_start3A_438 = tpu.memref_slice %arg8[%dma_start3A_437] : memref<1600000xi32, #tpu.memory_space<hbm>> -> memref<1600000xi32, #tpu.memory_space<hbm>>
              tpu.enqueue_indirect_dma source(%dma_start3A_433 : memref<128xi32, #tpu.memory_space<vmem>>) target(%dma_start3A_438 : memref<1600000xi32, #tpu.memory_space<hbm>>) offsets(%dma_start3A_436 : memref<128xi32, #tpu.memory_space<vmem>>) semaphore(%arg22 : memref<!tpu.dma_semaphore, #tpu.memory_space<semaphore_mem>>)
              %scan3A_439 = arith.constant 0 : i32
              scf.yield %scan3A_439 : i32
            }
            %scan3A_403 = arith.constant 16 : i32
            %dma_wait3A_404 = arith.constant 0 : i32
            %dma_wait3A_405 = tpu.memref_slice %arg10[%dma_wait3A_404] : memref<2048xi32, #tpu.memory_space<vmem>> -> memref<2048xi32, #tpu.memory_space<vmem>>
            %dma_wait3A_406 = arith.constant 0 : i32
            %dma_wait3A_407 = tpu.memref_slice %arg7[%dma_wait3A_406] : memref<1600000xi32, #tpu.memory_space<hbm>> -> memref<2048xi32, #tpu.memory_space<hbm>>
            %dma_wait3A_408 = arith.constant 0 : i32
            %dma_wait3A_409 = tpu.memref_slice %arg10[%dma_wait3A_408] : memref<2048xi32, #tpu.memory_space<vmem>> -> memref<2048xi32, #tpu.memory_space<vmem>>
            %dma_wait3A_410 = arith.constant 0 : i32
            %dma_wait3A_411 = tpu.memref_slice %arg7[%dma_wait3A_410] : memref<1600000xi32, #tpu.memory_space<hbm>> -> memref<2048xi32, #tpu.memory_space<hbm>>
            tpu.wait_dma2 semaphore(%arg22 : memref<!tpu.dma_semaphore, #tpu.memory_space<semaphore_mem>>) src(%dma_wait3A_411 : memref<2048xi32, #tpu.memory_space<hbm>>) dst(%dma_wait3A_409 : memref<2048xi32, #tpu.memory_space<vmem>>)
            %dma_wait3A_412 = arith.constant 0 : i32
            %dma_wait3A_413 = tpu.memref_slice %arg10[%dma_wait3A_412] : memref<2048xi32, #tpu.memory_space<vmem>> -> memref<2048xi32, #tpu.memory_space<vmem>>
            %dma_wait3A_414 = arith.constant 0 : i32
            %dma_wait3A_415 = tpu.memref_slice %arg7[%dma_wait3A_414] : memref<1600000xi32, #tpu.memory_space<hbm>> -> memref<2048xi32, #tpu.memory_space<hbm>>
            %dma_wait3A_416 = arith.constant 0 : i32
            %dma_wait3A_417 = tpu.memref_slice %arg10[%dma_wait3A_416] : memref<2048xi32, #tpu.memory_space<vmem>> -> memref<2048xi32, #tpu.memory_space<vmem>>
            %dma_wait3A_418 = arith.constant 0 : i32
            %dma_wait3A_419 = tpu.memref_slice %arg7[%dma_wait3A_418] : memref<1600000xi32, #tpu.memory_space<hbm>> -> memref<2048xi32, #tpu.memory_space<hbm>>
            tpu.wait_dma2 semaphore(%arg22 : memref<!tpu.dma_semaphore, #tpu.memory_space<semaphore_mem>>) src(%dma_wait3A_419 : memref<2048xi32, #tpu.memory_space<hbm>>) dst(%dma_wait3A_417 : memref<2048xi32, #tpu.memory_space<vmem>>)
            %scan3A_420 = arith.constant 0 : i32
            scf.yield %scan3A_420 : i32
          }
          %scan3A_109 = arith.constant 48 : i32
          %add3A_110 = arith.constant 98304 : i32
          %add3A_111 = arith.addi %mul3A_17, %add3A_110 : i32
          %dma_start3A_112 = arith.constant 0 : i32
          %dma_start3A_113 = tpu.memref_slice %arg10[%dma_start3A_112] : memref<2048xi32, #tpu.memory_space<vmem>> -> memref<1696xi32, #tpu.memory_space<vmem>>
          %dma_start3A_114 = tpu.memref_slice %arg6[%add3A_111] : memref<1600000xi32, #tpu.memory_space<hbm>> -> memref<1696xi32, #tpu.memory_space<hbm>>
          %dma_start3A_115 = arith.constant 0 : i32
          %dma_start3A_116 = tpu.memref_slice %arg10[%dma_start3A_115] : memref<2048xi32, #tpu.memory_space<vmem>> -> memref<1696xi32, #tpu.memory_space<vmem>>
          %dma_start3A_117 = tpu.memref_slice %arg6[%add3A_111] : memref<1600000xi32, #tpu.memory_space<hbm>> -> memref<1696xi32, #tpu.memory_space<hbm>>
          tpu.enqueue_dma source(%dma_start3A_117 : memref<1696xi32, #tpu.memory_space<hbm>>) target(%dma_start3A_116 : memref<1696xi32, #tpu.memory_space<vmem>>) target_semaphore(%arg22 : memref<!tpu.dma_semaphore, #tpu.memory_space<semaphore_mem>>)
          %dma_wait3A_118 = arith.constant 0 : i32
          %dma_wait3A_119 = tpu.memref_slice %arg10[%dma_wait3A_118] : memref<2048xi32, #tpu.memory_space<vmem>> -> memref<1696xi32, #tpu.memory_space<vmem>>
          %dma_wait3A_120 = tpu.memref_slice %arg6[%add3A_111] : memref<1600000xi32, #tpu.memory_space<hbm>> -> memref<1696xi32, #tpu.memory_space<hbm>>
          %dma_wait3A_121 = arith.constant 0 : i32
          %dma_wait3A_122 = tpu.memref_slice %arg10[%dma_wait3A_121] : memref<2048xi32, #tpu.memory_space<vmem>> -> memref<1696xi32, #tpu.memory_space<vmem>>
          %dma_wait3A_123 = tpu.memref_slice %arg6[%add3A_111] : memref<1600000xi32, #tpu.memory_space<hbm>> -> memref<1696xi32, #tpu.memory_space<hbm>>
          tpu.wait_dma2 semaphore(%arg22 : memref<!tpu.dma_semaphore, #tpu.memory_space<semaphore_mem>>) src(%dma_wait3A_123 : memref<1696xi32, #tpu.memory_space<hbm>>) dst(%dma_wait3A_122 : memref<1696xi32, #tpu.memory_space<vmem>>)
          %scan3A_124 = arith.constant 0 : i32
          %scan3A_125 = arith.constant 0 : i32
          %scan3A_126 = arith.constant 104 : i32
          %scan3A_127 = arith.addi %scan3A_125, %scan3A_126 : i32
          %scan3A_128 = arith.constant 1 : i32
          %scan3A_129 = scf.for %scan3A_373 = %scan3A_125 to %scan3A_127 step %scan3A_128 iter_args(%scan3A_374 = %scan3A_124) -> (i32)  : i32 {
            %jit3A = arith.constant 8 : i32
            %div3A = arith.divsi %scan3A_373, %jit3A : i32
            %sign3A = arith.constant 0 : i32
            %sign3A_375 = arith.cmpi sgt, %scan3A_373, %sign3A : i32
            %sign3A_376 = arith.extui %sign3A_375 : i1 to i32
            %sign3A_377 = arith.constant 0 : i32
            %sign3A_378 = arith.cmpi slt, %scan3A_373, %sign3A_377 : i32
            %sign3A_379 = arith.extui %sign3A_378 : i1 to i32
            %sign3A_380 = arith.subi %sign3A_376, %sign3A_379 : i32
            %sign3A_381 = arith.constant 0 : i32
            %sign3A_382 = arith.cmpi sgt, %jit3A, %sign3A_381 : i32
            %sign3A_383 = arith.extui %sign3A_382 : i1 to i32
            %sign3A_384 = arith.constant 0 : i32
            %sign3A_385 = arith.cmpi slt, %jit3A, %sign3A_384 : i32
            %sign3A_386 = arith.extui %sign3A_385 : i1 to i32
            %sign3A_387 = arith.subi %sign3A_383, %sign3A_386 : i32
            %ne3A = arith.cmpi ne, %sign3A_380, %sign3A_387 : i32
            %rem3A = arith.remsi %scan3A_373, %jit3A : i32
            %ne3A_388 = arith.constant 0 : i32
            %ne3A_389 = arith.cmpi ne, %rem3A, %ne3A_388 : i32
            %and3A_390 = arith.andi %ne3A, %ne3A_389 : i1
            %sub3A_391 = arith.constant 1 : i32
            %sub3A_392 = arith.subi %div3A, %sub3A_391 : i32
            %select_n3A = arith.select %and3A_390, %sub3A_392, %div3A : i32
            %jit3A_393 = arith.constant 8 : i32
            %eq3A_394 = arith.constant 0 : i32
            %eq3A_395 = arith.cmpi eq, %jit3A_393, %eq3A_394 : i32
            %jit3A_396 = arith.constant 1 : i32
            %select_n3A_397 = arith.select %eq3A_395, %jit3A_396, %jit3A_393 : i32
            %rem3A_398 = arith.remsi %scan3A_373, %select_n3A_397 : i32
            %ne3A_399 = arith.constant 0 : i32
            %ne3A_400 = arith.cmpi ne, %rem3A_398, %ne3A_399 : i32
            %lt3A_401 = arith.constant 0 : i32
            %lt3A_402 = arith.cmpi slt, %rem3A_398, %lt3A_401 : i32
            %lt3A_403 = arith.constant 0 : i32
            %lt3A_404 = arith.cmpi slt, %select_n3A_397, %lt3A_403 : i32
            %ne3A_405 = arith.xori %lt3A_402, %lt3A_404 : i1
            %and3A_406 = arith.andi %ne3A_405, %ne3A_400 : i1
            %add3A_407 = arith.addi %rem3A_398, %select_n3A_397 : i32
            %select_n3A_408 = arith.select %and3A_406, %add3A_407, %rem3A_398 : i32
            %mul3A_409 = arith.constant 16 : i32
            %mul3A_410 = arith.muli %select_n3A_408, %mul3A_409 : i32
            %mul3A_411 = arith.constant 16 : i32
            %mul3A_412 = arith.muli %scan3A_373, %mul3A_411 : i32
            %get3A_413 = arith.index_cast %mul3A_412 : i32 to index
            %get3A_414 = tpu.vector_load %arg10[%get3A_413] {strides = array<i32>} : memref<2048xi32, #tpu.memory_space<vmem>>, vector<16xi32>,
            %and3A_415 = arith.constant 511 : i32
            %and3A_416 = vector.broadcast %and3A_415 : i32 to vector<16xi32>
            %and3A_417 = arith.andi %get3A_414, %and3A_416 : vector<16xi32>
            %broadcast_in_dim3A_418 = arith.constant true
            %broadcast_in_dim3A_419 = vector.broadcast %broadcast_in_dim3A_418 : i1 to vector<16xi1>
            %unique3A_420, %unique3A_421 = tpu.scan_count mask(%broadcast_in_dim3A_419 : vector<16xi1>) value(%and3A_417 : vector<16xi32>) : vector<16xi1>, vector<16xi32>
            %gather3A_422 = tpu.vector_load_idx %arg20[%and3A_417] : memref<512xi32, #tpu.memory_space<vmem>>[vector<16xi32>], vector<16xi32>,
            %add3A_423 = arith.addi %gather3A_422, %unique3A_421 : vector<16xi32>
            %sub3A_424 = arith.constant 1 : i32
            %sub3A_425 = vector.broadcast %sub3A_424 : i32 to vector<16xi32>
            %sub3A_426 = arith.subi %add3A_423, %sub3A_425 : vector<16xi32>
            tpu.vector_store_idx %arg20[%and3A_417], %unique3A_421 masked %unique3A_420 {add = true} : memref<512xi32, #tpu.memory_space<vmem>>[vector<16xi32>], vector<16xi32>, vector<16xi1>
            %mul3A_427 = arith.constant 16 : i32
            %mul3A_428 = arith.muli %scan3A_373, %mul3A_427 : i32
            %add3A_429 = arith.constant 98304 : i32
            %add3A_430 = arith.addi %add3A_429, %mul3A_428 : i32
            %add3A_431 = vector.broadcast %add3A_430 : i32 to vector<16xi32>
            %add3A_432 = arith.addi %add3A_431, %iota3A : vector<16xi32>
            %swap3A_433 = arith.index_cast %select_n3A : i32 to index
            %swap3A_434 = arith.index_cast %mul3A_410 : i32 to index
            %swap3A_435 = tpu.vector_load %arg12[%swap3A_433, %swap3A_434] {strides = array<i32>} : memref<16x128xi32, #tpu.memory_space<vmem>>, vector<16xi32>,
            tpu.vector_store %arg12[%swap3A_433, %swap3A_434], %sub3A_426 {strides = array<i32>} : memref<16x128xi32, #tpu.memory_space<vmem>>, vector<16xi32>,
            %swap3A_436 = arith.index_cast %select_n3A : i32 to index
            %swap3A_437 = arith.index_cast %mul3A_410 : i32 to index
            %swap3A_438 = tpu.vector_load %arg13[%swap3A_436, %swap3A_437] {strides = array<i32>} : memref<16x128xi32, #tpu.memory_space<vmem>>, vector<16xi32>,
            tpu.vector_store %arg13[%swap3A_436, %swap3A_437], %get3A_414 {strides = array<i32>} : memref<16x128xi32, #tpu.memory_space<vmem>>, vector<16xi32>,
            %swap3A_439 = arith.index_cast %select_n3A : i32 to index
            %swap3A_440 = arith.index_cast %mul3A_410 : i32 to index
            %swap3A_441 = tpu.vector_load %arg14[%swap3A_439, %swap3A_440] {strides = array<i32>} : memref<16x128xi32, #tpu.memory_space<vmem>>, vector<16xi32>,
            tpu.vector_store %arg14[%swap3A_439, %swap3A_440], %add3A_432 {strides = array<i32>} : memref<16x128xi32, #tpu.memory_space<vmem>>, vector<16xi32>,
            %scan3A_442 = arith.constant 0 : i32
            scf.yield %scan3A_442 : i32
          }
          %scan3A_130 = arith.constant 104 : i32
          %get3A = arith.constant 1664 : index
          %get3A_131 = tpu.vector_load %arg10[%get3A] {strides = array<i32>} : memref<2048xi32, #tpu.memory_space<vmem>>, vector<16xi32>,
          %and3A = arith.constant 511 : i32
          %and3A_132 = vector.broadcast %and3A : i32 to vector<16xi32>
          %and3A_133 = arith.andi %get3A_131, %and3A_132 : vector<16xi32>
          %broadcast_in_dim3A_134 = arith.constant true
          %broadcast_in_dim3A_135 = vector.broadcast %broadcast_in_dim3A_134 : i1 to vector<16xi1>
          %unique3A, %unique3A_136 = tpu.scan_count mask(%broadcast_in_dim3A_135 : vector<16xi1>) value(%and3A_133 : vector<16xi32>) : vector<16xi1>, vector<16xi32>
          %gather3A = tpu.vector_load_idx %arg20[%and3A_133] : memref<512xi32, #tpu.memory_space<vmem>>[vector<16xi32>], vector<16xi32>,
          %add3A_137 = arith.addi %gather3A, %unique3A_136 : vector<16xi32>
          %sub3A = arith.constant 1 : i32
          %sub3A_138 = vector.broadcast %sub3A : i32 to vector<16xi32>
          %sub3A_139 = arith.subi %add3A_137, %sub3A_138 : vector<16xi32>
          tpu.vector_store_idx %arg20[%and3A_133], %unique3A_136 masked %unique3A {add = true} : memref<512xi32, #tpu.memory_space<vmem>>[vector<16xi32>], vector<16xi32>, vector<16xi1>
          %add3A_140 = arith.constant 99968 : i32
          %add3A_141 = vector.broadcast %add3A_140 : i32 to vector<16xi32>
          %add3A_142 = arith.addi %add3A_141, %iota3A : vector<16xi32>
          %swap3A = arith.constant 0 : index
          %swap3A_143 = tpu.vector_load %arg15[%swap3A] {strides = array<i32>} : memref<32xi32, #tpu.memory_space<vmem>>, vector<16xi32>,
          tpu.vector_store %arg15[%swap3A], %sub3A_139 {strides = array<i32>} : memref<32xi32, #tpu.memory_space<vmem>>, vector<16xi32>,
          %swap3A_144 = arith.constant 0 : index
          %swap3A_145 = tpu.vector_load %arg16[%swap3A_144] {strides = array<i32>} : memref<32xi32, #tpu.memory_space<vmem>>, vector<16xi32>,
          tpu.vector_store %arg16[%swap3A_144], %get3A_131 {strides = array<i32>} : memref<32xi32, #tpu.memory_space<vmem>>, vector<16xi32>,
          %swap3A_146 = arith.constant 0 : index
          %swap3A_147 = tpu.vector_load %arg17[%swap3A_146] {strides = array<i32>} : memref<32xi32, #tpu.memory_space<vmem>>, vector<16xi32>,
          tpu.vector_store %arg17[%swap3A_146], %add3A_142 {strides = array<i32>} : memref<32xi32, #tpu.memory_space<vmem>>, vector<16xi32>,
          %get3A_148 = arith.constant 1680 : index
          %get3A_149 = tpu.vector_load %arg10[%get3A_148] {strides = array<i32>} : memref<2048xi32, #tpu.memory_space<vmem>>, vector<16xi32>,
          %and3A_150 = arith.constant 511 : i32
          %and3A_151 = vector.broadcast %and3A_150 : i32 to vector<16xi32>
          %and3A_152 = arith.andi %get3A_149, %and3A_151 : vector<16xi32>
          %broadcast_in_dim3A_153 = arith.constant true
          %broadcast_in_dim3A_154 = vector.broadcast %broadcast_in_dim3A_153 : i1 to vector<16xi1>
          %unique3A_155, %unique3A_156 = tpu.scan_count mask(%broadcast_in_dim3A_154 : vector<16xi1>) value(%and3A_152 : vector<16xi32>) : vector<16xi1>, vector<16xi32>
          %gather3A_157 = tpu.vector_load_idx %arg20[%and3A_152] : memref<512xi32, #tpu.memory_space<vmem>>[vector<16xi32>], vector<16xi32>,
          %add3A_158 = arith.addi %gather3A_157, %unique3A_156 : vector<16xi32>
          %sub3A_159 = arith.constant 1 : i32
          %sub3A_160 = vector.broadcast %sub3A_159 : i32 to vector<16xi32>
          %sub3A_161 = arith.subi %add3A_158, %sub3A_160 : vector<16xi32>
          tpu.vector_store_idx %arg20[%and3A_152], %unique3A_156 masked %unique3A_155 {add = true} : memref<512xi32, #tpu.memory_space<vmem>>[vector<16xi32>], vector<16xi32>, vector<16xi1>
          %add3A_162 = arith.constant 99984 : i32
          %add3A_163 = vector.broadcast %add3A_162 : i32 to vector<16xi32>
          %add3A_164 = arith.addi %add3A_163, %iota3A : vector<16xi32>
          %swap3A_165 = arith.constant 16 : index
          %swap3A_166 = tpu.vector_load %arg15[%swap3A_165] {strides = array<i32>} : memref<32xi32, #tpu.memory_space<vmem>>, vector<16xi32>,
          tpu.vector_store %arg15[%swap3A_165], %sub3A_161 {strides = array<i32>} : memref<32xi32, #tpu.memory_space<vmem>>, vector<16xi32>,
          %swap3A_167 = arith.constant 16 : index
          %swap3A_168 = tpu.vector_load %arg16[%swap3A_167] {strides = array<i32>} : memref<32xi32, #tpu.memory_space<vmem>>, vector<16xi32>,
          tpu.vector_store %arg16[%swap3A_167], %get3A_149 {strides = array<i32>} : memref<32xi32, #tpu.memory_space<vmem>>, vector<16xi32>,
          %swap3A_169 = arith.constant 16 : index
          %swap3A_170 = tpu.vector_load %arg17[%swap3A_169] {strides = array<i32>} : memref<32xi32, #tpu.memory_space<vmem>>, vector<16xi32>,
          tpu.vector_store %arg17[%swap3A_169], %add3A_164 {strides = array<i32>} : memref<32xi32, #tpu.memory_space<vmem>>, vector<16xi32>,
          %scan3A_171 = arith.constant 0 : i32
          %scan3A_172 = arith.constant 0 : i32
          %scan3A_173 = arith.constant 13 : i32
          %scan3A_174 = arith.addi %scan3A_172, %scan3A_173 : i32
          %scan3A_175 = arith.constant 1 : i32
          %scan3A_176 = scf.for %scan3A_373 = %scan3A_172 to %scan3A_174 step %scan3A_175 iter_args(%scan3A_374 = %scan3A_171) -> (i32)  : i32 {
            %dma_start3A_375 = arith.constant 0 : i32
            %dma_start3A_376 = tpu.memref_slice %arg13[%scan3A_373, %dma_start3A_375] : memref<16x128xi32, #tpu.memory_space<vmem>> -> memref<1x128xi32, #tpu.memory_space<vmem>>
            %dma_start3A_377 = tpu.memref_squeeze %dma_start3A_376 : memref<1x128xi32, #tpu.memory_space<vmem>> -> memref<128xi32, #tpu.memory_space<vmem>>
            %dma_start3A_378 = arith.constant 0 : i32
            %dma_start3A_379 = tpu.memref_slice %arg12[%scan3A_373, %dma_start3A_378] : memref<16x128xi32, #tpu.memory_space<vmem>> -> memref<1x128xi32, #tpu.memory_space<vmem>>
            %dma_start3A_380 = tpu.memref_squeeze %dma_start3A_379 : memref<1x128xi32, #tpu.memory_space<vmem>> -> memref<128xi32, #tpu.memory_space<vmem>>
            %dma_start3A_381 = arith.constant 0 : i32
            %dma_start3A_382 = tpu.memref_slice %arg7[%dma_start3A_381] : memref<1600000xi32, #tpu.memory_space<hbm>> -> memref<1600000xi32, #tpu.memory_space<hbm>>
            tpu.enqueue_indirect_dma source(%dma_start3A_377 : memref<128xi32, #tpu.memory_space<vmem>>) target(%dma_start3A_382 : memref<1600000xi32, #tpu.memory_space<hbm>>) offsets(%dma_start3A_380 : memref<128xi32, #tpu.memory_space<vmem>>) semaphore(%arg22 : memref<!tpu.dma_semaphore, #tpu.memory_space<semaphore_mem>>)
            %dma_start3A_383 = arith.constant 0 : i32
            %dma_start3A_384 = tpu.memref_slice %arg14[%scan3A_373, %dma_start3A_383] : memref<16x128xi32, #tpu.memory_space<vmem>> -> memref<1x128xi32, #tpu.memory_space<vmem>>
            %dma_start3A_385 = tpu.memref_squeeze %dma_start3A_384 : memref<1x128xi32, #tpu.memory_space<vmem>> -> memref<128xi32, #tpu.memory_space<vmem>>
            %dma_start3A_386 = arith.constant 0 : i32
            %dma_start3A_387 = tpu.memref_slice %arg12[%scan3A_373, %dma_start3A_386] : memref<16x128xi32, #tpu.memory_space<vmem>> -> memref<1x128xi32, #tpu.memory_space<vmem>>
            %dma_start3A_388 = tpu.memref_squeeze %dma_start3A_387 : memref<1x128xi32, #tpu.memory_space<vmem>> -> memref<128xi32, #tpu.memory_space<vmem>>
            %dma_start3A_389 = arith.constant 0 : i32
            %dma_start3A_390 = tpu.memref_slice %arg8[%dma_start3A_389] : memref<1600000xi32, #tpu.memory_space<hbm>> -> memref<1600000xi32, #tpu.memory_space<hbm>>
            tpu.enqueue_indirect_dma source(%dma_start3A_385 : memref<128xi32, #tpu.memory_space<vmem>>) target(%dma_start3A_390 : memref<1600000xi32, #tpu.memory_space<hbm>>) offsets(%dma_start3A_388 : memref<128xi32, #tpu.memory_space<vmem>>) semaphore(%arg22 : memref<!tpu.dma_semaphore, #tpu.memory_space<semaphore_mem>>)
            %scan3A_391 = arith.constant 0 : i32
            scf.yield %scan3A_391 : i32
          }
          %scan3A_177 = arith.constant 13 : i32
          %dma_start3A_178 = arith.constant 0 : i32
          %dma_start3A_179 = tpu.memref_slice %arg7[%dma_start3A_178] : memref<1600000xi32, #tpu.memory_space<hbm>> -> memref<1600000xi32, #tpu.memory_space<hbm>>
          tpu.enqueue_indirect_dma source(%arg16 : memref<32xi32, #tpu.memory_space<vmem>>) target(%dma_start3A_179 : memref<1600000xi32, #tpu.memory_space<hbm>>) offsets(%arg15 : memref<32xi32, #tpu.memory_space<vmem>>) semaphore(%arg22 : memref<!tpu.dma_semaphore, #tpu.memory_space<semaphore_mem>>)
          %dma_start3A_180 = arith.constant 0 : i32
          %dma_start3A_181 = tpu.memref_slice %arg8[%dma_start3A_180] : memref<1600000xi32, #tpu.memory_space<hbm>> -> memref<1600000xi32, #tpu.memory_space<hbm>>
          tpu.enqueue_indirect_dma source(%arg17 : memref<32xi32, #tpu.memory_space<vmem>>) target(%dma_start3A_181 : memref<1600000xi32, #tpu.memory_space<hbm>>) offsets(%arg15 : memref<32xi32, #tpu.memory_space<vmem>>) semaphore(%arg22 : memref<!tpu.dma_semaphore, #tpu.memory_space<semaphore_mem>>)
          %dma_wait3A_182 = arith.constant 0 : i32
          %dma_wait3A_183 = tpu.memref_slice %arg10[%dma_wait3A_182] : memref<2048xi32, #tpu.memory_space<vmem>> -> memref<1664xi32, #tpu.memory_space<vmem>>
          %dma_wait3A_184 = arith.constant 0 : i32
          %dma_wait3A_185 = tpu.memref_slice %arg7[%dma_wait3A_184] : memref<1600000xi32, #tpu.memory_space<hbm>> -> memref<1664xi32, #tpu.memory_space<hbm>>
          %dma_wait3A_186 = arith.constant 0 : i32
          %dma_wait3A_187 = tpu.memref_slice %arg10[%dma_wait3A_186] : memref<2048xi32, #tpu.memory_space<vmem>> -> memref<1664xi32, #tpu.memory_space<vmem>>
          %dma_wait3A_188 = arith.constant 0 : i32
          %dma_wait3A_189 = tpu.memref_slice %arg7[%dma_wait3A_188] : memref<1600000xi32, #tpu.memory_space<hbm>> -> memref<1664xi32, #tpu.memory_space<hbm>>
          tpu.wait_dma2 semaphore(%arg22 : memref<!tpu.dma_semaphore, #tpu.memory_space<semaphore_mem>>) src(%dma_wait3A_189 : memref<1664xi32, #tpu.memory_space<hbm>>) dst(%dma_wait3A_187 : memref<1664xi32, #tpu.memory_space<vmem>>)
          %dma_wait3A_190 = arith.constant 0 : i32
          %dma_wait3A_191 = tpu.memref_slice %arg10[%dma_wait3A_190] : memref<2048xi32, #tpu.memory_space<vmem>> -> memref<1664xi32, #tpu.memory_space<vmem>>
          %dma_wait3A_192 = arith.constant 0 : i32
          %dma_wait3A_193 = tpu.memref_slice %arg7[%dma_wait3A_192] : memref<1600000xi32, #tpu.memory_space<hbm>> -> memref<1664xi32, #tpu.memory_space<hbm>>
          %dma_wait3A_194 = arith.constant 0 : i32
          %dma_wait3A_195 = tpu.memref_slice %arg10[%dma_wait3A_194] : memref<2048xi32, #tpu.memory_space<vmem>> -> memref<1664xi32, #tpu.memory_space<vmem>>
          %dma_wait3A_196 = arith.constant 0 : i32
          %dma_wait3A_197 = tpu.memref_slice %arg7[%dma_wait3A_196] : memref<1600000xi32, #tpu.memory_space<hbm>> -> memref<1664xi32, #tpu.memory_space<hbm>>
          tpu.wait_dma2 semaphore(%arg22 : memref<!tpu.dma_semaphore, #tpu.memory_space<semaphore_mem>>) src(%dma_wait3A_197 : memref<1664xi32, #tpu.memory_space<hbm>>) dst(%dma_wait3A_195 : memref<1664xi32, #tpu.memory_space<vmem>>)
          %dma_wait3A_198 = arith.constant 0 : i32
          %dma_wait3A_199 = tpu.memref_slice %arg7[%dma_wait3A_198] : memref<1600000xi32, #tpu.memory_space<hbm>> -> memref<32xi32, #tpu.memory_space<hbm>>
          %dma_wait3A_200 = arith.constant 0 : i32
          %dma_wait3A_201 = tpu.memref_slice %arg7[%dma_wait3A_200] : memref<1600000xi32, #tpu.memory_space<hbm>> -> memref<32xi32, #tpu.memory_space<hbm>>
          tpu.wait_dma2 semaphore(%arg22 : memref<!tpu.dma_semaphore, #tpu.memory_space<semaphore_mem>>) src(%dma_wait3A_201 : memref<32xi32, #tpu.memory_space<hbm>>) dst(%arg16 : memref<32xi32, #tpu.memory_space<vmem>>)
          %dma_wait3A_202 = arith.constant 0 : i32
          %dma_wait3A_203 = tpu.memref_slice %arg7[%dma_wait3A_202] : memref<1600000xi32, #tpu.memory_space<hbm>> -> memref<32xi32, #tpu.memory_space<hbm>>
          %dma_wait3A_204 = arith.constant 0 : i32
          %dma_wait3A_205 = tpu.memref_slice %arg7[%dma_wait3A_204] : memref<1600000xi32, #tpu.memory_space<hbm>> -> memref<32xi32, #tpu.memory_space<hbm>>
          tpu.wait_dma2 semaphore(%arg22 : memref<!tpu.dma_semaphore, #tpu.memory_space<semaphore_mem>>) src(%dma_wait3A_205 : memref<32xi32, #tpu.memory_space<hbm>>) dst(%arg17 : memref<32xi32, #tpu.memory_space<vmem>>)
          %scan3A_206 = arith.constant 0 : i32
          %scan3A_207 = arith.constant 0 : i32
          %scan3A_208 = arith.constant 48 : i32
          %scan3A_209 = arith.addi %scan3A_207, %scan3A_208 : i32
          %scan3A_210 = arith.constant 1 : i32
          %scan3A_211 = scf.for %scan3A_373 = %scan3A_207 to %scan3A_209 step %scan3A_210 iter_args(%scan3A_374 = %scan3A_206) -> (i32)  : i32 {
            %mul3A_375 = arith.constant 2048 : i32
            %mul3A_376 = arith.muli %scan3A_373, %mul3A_375 : i32
            %add3A_377 = arith.addi %mul3A_17, %mul3A_376 : i32
            %dma_start3A_378 = arith.constant 0 : i32
            %dma_start3A_379 = tpu.memref_slice %arg10[%dma_start3A_378] : memref<2048xi32, #tpu.memory_space<vmem>> -> memref<2048xi32, #tpu.memory_space<vmem>>
            %dma_start3A_380 = tpu.memref_slice %arg7[%add3A_377] : memref<1600000xi32, #tpu.memory_space<hbm>> -> memref<2048xi32, #tpu.memory_space<hbm>>
            %dma_start3A_381 = arith.constant 0 : i32
            %dma_start3A_382 = tpu.memref_slice %arg10[%dma_start3A_381] : memref<2048xi32, #tpu.memory_space<vmem>> -> memref<2048xi32, #tpu.memory_space<vmem>>
            %dma_start3A_383 = tpu.memref_slice %arg7[%add3A_377] : memref<1600000xi32, #tpu.memory_space<hbm>> -> memref<2048xi32, #tpu.memory_space<hbm>>
            tpu.enqueue_dma source(%dma_start3A_383 : memref<2048xi32, #tpu.memory_space<hbm>>) target(%dma_start3A_382 : memref<2048xi32, #tpu.memory_space<vmem>>) target_semaphore(%arg22 : memref<!tpu.dma_semaphore, #tpu.memory_space<semaphore_mem>>)
            %dma_wait3A_384 = arith.constant 0 : i32
            %dma_wait3A_385 = tpu.memref_slice %arg10[%dma_wait3A_384] : memref<2048xi32, #tpu.memory_space<vmem>> -> memref<2048xi32, #tpu.memory_space<vmem>>
            %dma_wait3A_386 = tpu.memref_slice %arg7[%add3A_377] : memref<1600000xi32, #tpu.memory_space<hbm>> -> memref<2048xi32, #tpu.memory_space<hbm>>
            %dma_wait3A_387 = arith.constant 0 : i32
            %dma_wait3A_388 = tpu.memref_slice %arg10[%dma_wait3A_387] : memref<2048xi32, #tpu.memory_space<vmem>> -> memref<2048xi32, #tpu.memory_space<vmem>>
            %dma_wait3A_389 = tpu.memref_slice %arg7[%add3A_377] : memref<1600000xi32, #tpu.memory_space<hbm>> -> memref<2048xi32, #tpu.memory_space<hbm>>
            tpu.wait_dma2 semaphore(%arg22 : memref<!tpu.dma_semaphore, #tpu.memory_space<semaphore_mem>>) src(%dma_wait3A_389 : memref<2048xi32, #tpu.memory_space<hbm>>) dst(%dma_wait3A_388 : memref<2048xi32, #tpu.memory_space<vmem>>)
            %scan3A_390 = arith.constant 0 : i32
            scf.yield %scan3A_390 : i32
          }
          %scan3A_212 = arith.constant 48 : i32
          %scan3A_213 = arith.constant 0 : i32
          %scan3A_214 = arith.constant 0 : i32
          %scan3A_215 = arith.constant 48 : i32
          %scan3A_216 = arith.addi %scan3A_214, %scan3A_215 : i32
          %scan3A_217 = arith.constant 1 : i32
          %scan3A_218 = scf.for %scan3A_373 = %scan3A_214 to %scan3A_216 step %scan3A_217 iter_args(%scan3A_374 = %scan3A_213) -> (i32)  : i32 {
            %mul3A_375 = arith.constant 2048 : i32
            %mul3A_376 = arith.muli %scan3A_373, %mul3A_375 : i32
            %add3A_377 = arith.addi %mul3A_17, %mul3A_376 : i32
            %dma_start3A_378 = arith.constant 0 : i32
            %dma_start3A_379 = tpu.memref_slice %arg10[%dma_start3A_378] : memref<2048xi32, #tpu.memory_space<vmem>> -> memref<2048xi32, #tpu.memory_space<vmem>>
            %dma_start3A_380 = tpu.memref_slice %arg7[%add3A_377] : memref<1600000xi32, #tpu.memory_space<hbm>> -> memref<2048xi32, #tpu.memory_space<hbm>>
            %dma_start3A_381 = arith.constant 0 : i32
            %dma_start3A_382 = tpu.memref_slice %arg10[%dma_start3A_381] : memref<2048xi32, #tpu.memory_space<vmem>> -> memref<2048xi32, #tpu.memory_space<vmem>>
            %dma_start3A_383 = tpu.memref_slice %arg7[%add3A_377] : memref<1600000xi32, #tpu.memory_space<hbm>> -> memref<2048xi32, #tpu.memory_space<hbm>>
            tpu.enqueue_dma source(%dma_start3A_383 : memref<2048xi32, #tpu.memory_space<hbm>>) target(%dma_start3A_382 : memref<2048xi32, #tpu.memory_space<vmem>>) target_semaphore(%arg22 : memref<!tpu.dma_semaphore, #tpu.memory_space<semaphore_mem>>)
            %add3A_384 = arith.addi %mul3A_17, %mul3A_376 : i32
            %dma_start3A_385 = arith.constant 0 : i32
            %dma_start3A_386 = tpu.memref_slice %arg11[%dma_start3A_385] : memref<2048xi32, #tpu.memory_space<vmem>> -> memref<2048xi32, #tpu.memory_space<vmem>>
            %dma_start3A_387 = tpu.memref_slice %arg8[%add3A_384] : memref<1600000xi32, #tpu.memory_space<hbm>> -> memref<2048xi32, #tpu.memory_space<hbm>>
            %dma_start3A_388 = arith.constant 0 : i32
            %dma_start3A_389 = tpu.memref_slice %arg11[%dma_start3A_388] : memref<2048xi32, #tpu.memory_space<vmem>> -> memref<2048xi32, #tpu.memory_space<vmem>>
            %dma_start3A_390 = tpu.memref_slice %arg8[%add3A_384] : memref<1600000xi32, #tpu.memory_space<hbm>> -> memref<2048xi32, #tpu.memory_space<hbm>>
            tpu.enqueue_dma source(%dma_start3A_390 : memref<2048xi32, #tpu.memory_space<hbm>>) target(%dma_start3A_389 : memref<2048xi32, #tpu.memory_space<vmem>>) target_semaphore(%arg22 : memref<!tpu.dma_semaphore, #tpu.memory_space<semaphore_mem>>)
            %dma_wait3A_391 = arith.constant 0 : i32
            %dma_wait3A_392 = tpu.memref_slice %arg11[%dma_wait3A_391] : memref<2048xi32, #tpu.memory_space<vmem>> -> memref<2048xi32, #tpu.memory_space<vmem>>
            %dma_wait3A_393 = tpu.memref_slice %arg8[%add3A_384] : memref<1600000xi32, #tpu.memory_space<hbm>> -> memref<2048xi32, #tpu.memory_space<hbm>>
            %dma_wait3A_394 = arith.constant 0 : i32
            %dma_wait3A_395 = tpu.memref_slice %arg11[%dma_wait3A_394] : memref<2048xi32, #tpu.memory_space<vmem>> -> memref<2048xi32, #tpu.memory_space<vmem>>
            %dma_wait3A_396 = tpu.memref_slice %arg8[%add3A_384] : memref<1600000xi32, #tpu.memory_space<hbm>> -> memref<2048xi32, #tpu.memory_space<hbm>>
            tpu.wait_dma2 semaphore(%arg22 : memref<!tpu.dma_semaphore, #tpu.memory_space<semaphore_mem>>) src(%dma_wait3A_396 : memref<2048xi32, #tpu.memory_space<hbm>>) dst(%dma_wait3A_395 : memref<2048xi32, #tpu.memory_space<vmem>>)
            %dma_wait3A_397 = arith.constant 0 : i32
            %dma_wait3A_398 = tpu.memref_slice %arg10[%dma_wait3A_397] : memref<2048xi32, #tpu.memory_space<vmem>> -> memref<2048xi32, #tpu.memory_space<vmem>>
            %dma_wait3A_399 = tpu.memref_slice %arg7[%add3A_377] : memref<1600000xi32, #tpu.memory_space<hbm>> -> memref<2048xi32, #tpu.memory_space<hbm>>
            %dma_wait3A_400 = arith.constant 0 : i32
            %dma_wait3A_401 = tpu.memref_slice %arg10[%dma_wait3A_400] : memref<2048xi32, #tpu.memory_space<vmem>> -> memref<2048xi32, #tpu.memory_space<vmem>>
            %dma_wait3A_402 = tpu.memref_slice %arg7[%add3A_377] : memref<1600000xi32, #tpu.memory_space<hbm>> -> memref<2048xi32, #tpu.memory_space<hbm>>
            tpu.wait_dma2 semaphore(%arg22 : memref<!tpu.dma_semaphore, #tpu.memory_space<semaphore_mem>>) src(%dma_wait3A_402 : memref<2048xi32, #tpu.memory_space<hbm>>) dst(%dma_wait3A_401 : memref<2048xi32, #tpu.memory_space<vmem>>)
            %scan3A_403 = arith.constant 0 : i32
            %scan3A_404 = arith.constant 0 : i32
            %scan3A_405 = arith.constant 128 : i32
            %scan3A_406 = arith.addi %scan3A_404, %scan3A_405 : i32
            %scan3A_407 = arith.constant 1 : i32
            %scan3A_408 = scf.for %scan3A_434 = %scan3A_404 to %scan3A_406 step %scan3A_407 iter_args(%scan3A_435 = %scan3A_403) -> (i32)  : i32 {
              %jit3A = arith.constant 8 : i32
              %div3A = arith.divsi %scan3A_434, %jit3A : i32
              %sign3A = arith.constant 0 : i32
              %sign3A_436 = arith.cmpi sgt, %scan3A_434, %sign3A : i32
              %sign3A_437 = arith.extui %sign3A_436 : i1 to i32
              %sign3A_438 = arith.constant 0 : i32
              %sign3A_439 = arith.cmpi slt, %scan3A_434, %sign3A_438 : i32
              %sign3A_440 = arith.extui %sign3A_439 : i1 to i32
              %sign3A_441 = arith.subi %sign3A_437, %sign3A_440 : i32
              %sign3A_442 = arith.constant 0 : i32
              %sign3A_443 = arith.cmpi sgt, %jit3A, %sign3A_442 : i32
              %sign3A_444 = arith.extui %sign3A_443 : i1 to i32
              %sign3A_445 = arith.constant 0 : i32
              %sign3A_446 = arith.cmpi slt, %jit3A, %sign3A_445 : i32
              %sign3A_447 = arith.extui %sign3A_446 : i1 to i32
              %sign3A_448 = arith.subi %sign3A_444, %sign3A_447 : i32
              %ne3A = arith.cmpi ne, %sign3A_441, %sign3A_448 : i32
              %rem3A = arith.remsi %scan3A_434, %jit3A : i32
              %ne3A_449 = arith.constant 0 : i32
              %ne3A_450 = arith.cmpi ne, %rem3A, %ne3A_449 : i32
              %and3A_451 = arith.andi %ne3A, %ne3A_450 : i1
              %sub3A_452 = arith.constant 1 : i32
              %sub3A_453 = arith.subi %div3A, %sub3A_452 : i32
              %select_n3A = arith.select %and3A_451, %sub3A_453, %div3A : i32
              %jit3A_454 = arith.constant 8 : i32
              %eq3A_455 = arith.constant 0 : i32
              %eq3A_456 = arith.cmpi eq, %jit3A_454, %eq3A_455 : i32
              %jit3A_457 = arith.constant 1 : i32
              %select_n3A_458 = arith.select %eq3A_456, %jit3A_457, %jit3A_454 : i32
              %rem3A_459 = arith.remsi %scan3A_434, %select_n3A_458 : i32
              %ne3A_460 = arith.constant 0 : i32
              %ne3A_461 = arith.cmpi ne, %rem3A_459, %ne3A_460 : i32
              %lt3A_462 = arith.constant 0 : i32
              %lt3A_463 = arith.cmpi slt, %rem3A_459, %lt3A_462 : i32
              %lt3A_464 = arith.constant 0 : i32
              %lt3A_465 = arith.cmpi slt, %select_n3A_458, %lt3A_464 : i32
              %ne3A_466 = arith.xori %lt3A_463, %lt3A_465 : i1
              %and3A_467 = arith.andi %ne3A_466, %ne3A_461 : i1
              %add3A_468 = arith.addi %rem3A_459, %select_n3A_458 : i32
              %select_n3A_469 = arith.select %and3A_467, %add3A_468, %rem3A_459 : i32
              %mul3A_470 = arith.constant 16 : i32
              %mul3A_471 = arith.muli %select_n3A_469, %mul3A_470 : i32
              %mul3A_472 = arith.constant 16 : i32
              %mul3A_473 = arith.muli %scan3A_434, %mul3A_472 : i32
              %get3A_474 = arith.index_cast %mul3A_473 : i32 to index
              %get3A_475 = tpu.vector_load %arg10[%get3A_474] {strides = array<i32>} : memref<2048xi32, #tpu.memory_space<vmem>>, vector<16xi32>,
              %shift_right_arithmetic3A_476 = arith.constant 9 : i32
              %shift_right_arithmetic3A_477 = vector.broadcast %shift_right_arithmetic3A_476 : i32 to vector<16xi32>
              %shift_right_arithmetic3A_478 = arith.shrsi %get3A_475, %shift_right_arithmetic3A_477 : vector<16xi32>
              %broadcast_in_dim3A_479 = arith.constant true
              %broadcast_in_dim3A_480 = vector.broadcast %broadcast_in_dim3A_479 : i1 to vector<16xi1>
              %unique3A_481, %unique3A_482 = tpu.scan_count mask(%broadcast_in_dim3A_480 : vector<16xi1>) value(%shift_right_arithmetic3A_478 : vector<16xi32>) : vector<16xi1>, vector<16xi32>
              %gather3A_483 = tpu.vector_load_idx %arg21[%shift_right_arithmetic3A_478] : memref<512xi32, #tpu.memory_space<vmem>>[vector<16xi32>], vector<16xi32>,
              %add3A_484 = arith.addi %gather3A_483, %unique3A_482 : vector<16xi32>
              %sub3A_485 = arith.constant 1 : i32
              %sub3A_486 = vector.broadcast %sub3A_485 : i32 to vector<16xi32>
              %sub3A_487 = arith.subi %add3A_484, %sub3A_486 : vector<16xi32>
              tpu.vector_store_idx %arg21[%shift_right_arithmetic3A_478], %unique3A_482 masked %unique3A_481 {add = true} : memref<512xi32, #tpu.memory_space<vmem>>[vector<16xi32>], vector<16xi32>, vector<16xi1>
              %mul3A_488 = arith.constant 16 : i32
              %mul3A_489 = arith.muli %scan3A_434, %mul3A_488 : i32
              %get3A_490 = arith.index_cast %mul3A_489 : i32 to index
              %get3A_491 = tpu.vector_load %arg11[%get3A_490] {strides = array<i32>} : memref<2048xi32, #tpu.memory_space<vmem>>, vector<16xi32>,
              %shift_right_arithmetic3A_492 = arith.constant 12 : i32
              %shift_right_arithmetic3A_493 = vector.broadcast %shift_right_arithmetic3A_492 : i32 to vector<16xi32>
              %shift_right_arithmetic3A_494 = arith.shrsi %get3A_475, %shift_right_arithmetic3A_493 : vector<16xi32>
              %shift_right_arithmetic3A_495 = arith.constant 6 : i32
              %shift_right_arithmetic3A_496 = vector.broadcast %shift_right_arithmetic3A_495 : i32 to vector<16xi32>
              %shift_right_arithmetic3A_497 = arith.shrsi %get3A_475, %shift_right_arithmetic3A_496 : vector<16xi32>
              %and3A_498 = arith.constant 63 : i32
              %and3A_499 = vector.broadcast %and3A_498 : i32 to vector<16xi32>
              %and3A_500 = arith.andi %shift_right_arithmetic3A_497, %and3A_499 : vector<16xi32>
              %and3A_501 = arith.constant 63 : i32
              %and3A_502 = vector.broadcast %and3A_501 : i32 to vector<16xi32>
              %and3A_503 = arith.andi %get3A_475, %and3A_502 : vector<16xi32>
              %mul3A_504 = arith.constant 10000 : i32
              %mul3A_505 = vector.broadcast %mul3A_504 : i32 to vector<16xi32>
              %mul3A_506 = arith.muli %shift_right_arithmetic3A_494, %mul3A_505 : vector<16xi32>
              %mul3A_507 = arith.constant 100 : i32
              %mul3A_508 = vector.broadcast %mul3A_507 : i32 to vector<16xi32>
              %mul3A_509 = arith.muli %and3A_500, %mul3A_508 : vector<16xi32>
              %add3A_510 = arith.addi %mul3A_506, %mul3A_509 : vector<16xi32>
              %add3A_511 = arith.addi %add3A_510, %and3A_503 : vector<16xi32>
              %swap3A_512 = arith.index_cast %select_n3A : i32 to index
              %swap3A_513 = arith.index_cast %mul3A_471 : i32 to index
              %swap3A_514 = tpu.vector_load %arg12[%swap3A_512, %swap3A_513] {strides = array<i32>} : memref<16x128xi32, #tpu.memory_space<vmem>>, vector<16xi32>,
              tpu.vector_store %arg12[%swap3A_512, %swap3A_513], %sub3A_487 {strides = array<i32>} : memref<16x128xi32, #tpu.memory_space<vmem>>, vector<16xi32>,
              %swap3A_515 = arith.index_cast %select_n3A : i32 to index
              %swap3A_516 = arith.index_cast %mul3A_471 : i32 to index
              %swap3A_517 = tpu.vector_load %arg13[%swap3A_515, %swap3A_516] {strides = array<i32>} : memref<16x128xi32, #tpu.memory_space<vmem>>, vector<16xi32>,
              tpu.vector_store %arg13[%swap3A_515, %swap3A_516], %get3A_491 {strides = array<i32>} : memref<16x128xi32, #tpu.memory_space<vmem>>, vector<16xi32>,
              %swap3A_518 = arith.index_cast %select_n3A : i32 to index
              %swap3A_519 = arith.index_cast %mul3A_471 : i32 to index
              %swap3A_520 = tpu.vector_load %arg14[%swap3A_518, %swap3A_519] {strides = array<i32>} : memref<16x128xi32, #tpu.memory_space<vmem>>, vector<16xi32>,
              tpu.vector_store %arg14[%swap3A_518, %swap3A_519], %add3A_511 {strides = array<i32>} : memref<16x128xi32, #tpu.memory_space<vmem>>, vector<16xi32>,
              %scan3A_521 = arith.constant 0 : i32
              scf.yield %scan3A_521 : i32
            }
            %scan3A_409 = arith.constant 128 : i32
            %scan3A_410 = arith.constant 0 : i32
            %scan3A_411 = arith.constant 0 : i32
            %scan3A_412 = arith.constant 16 : i32
            %scan3A_413 = arith.addi %scan3A_411, %scan3A_412 : i32
            %scan3A_414 = arith.constant 1 : i32
            %scan3A_415 = scf.for %scan3A_434 = %scan3A_411 to %scan3A_413 step %scan3A_414 iter_args(%scan3A_435 = %scan3A_410) -> (i32)  : i32 {
              %dma_start3A_436 = arith.constant 0 : i32
              %dma_start3A_437 = tpu.memref_slice %arg13[%scan3A_434, %dma_start3A_436] : memref<16x128xi32, #tpu.memory_space<vmem>> -> memref<1x128xi32, #tpu.memory_space<vmem>>
              %dma_start3A_438 = tpu.memref_squeeze %dma_start3A_437 : memref<1x128xi32, #tpu.memory_space<vmem>> -> memref<128xi32, #tpu.memory_space<vmem>>
              %dma_start3A_439 = arith.constant 0 : i32
              %dma_start3A_440 = tpu.memref_slice %arg12[%scan3A_434, %dma_start3A_439] : memref<16x128xi32, #tpu.memory_space<vmem>> -> memref<1x128xi32, #tpu.memory_space<vmem>>
              %dma_start3A_441 = tpu.memref_squeeze %dma_start3A_440 : memref<1x128xi32, #tpu.memory_space<vmem>> -> memref<128xi32, #tpu.memory_space<vmem>>
              %dma_start3A_442 = arith.constant 0 : i32
              %dma_start3A_443 = tpu.memref_slice %arg4[%dma_start3A_442] : memref<1600000xi32, #tpu.memory_space<hbm>> -> memref<1600000xi32, #tpu.memory_space<hbm>>
              tpu.enqueue_indirect_dma source(%dma_start3A_438 : memref<128xi32, #tpu.memory_space<vmem>>) target(%dma_start3A_443 : memref<1600000xi32, #tpu.memory_space<hbm>>) offsets(%dma_start3A_441 : memref<128xi32, #tpu.memory_space<vmem>>) semaphore(%arg22 : memref<!tpu.dma_semaphore, #tpu.memory_space<semaphore_mem>>)
              %dma_start3A_444 = arith.constant 0 : i32
              %dma_start3A_445 = tpu.memref_slice %arg14[%scan3A_434, %dma_start3A_444] : memref<16x128xi32, #tpu.memory_space<vmem>> -> memref<1x128xi32, #tpu.memory_space<vmem>>
              %dma_start3A_446 = tpu.memref_squeeze %dma_start3A_445 : memref<1x128xi32, #tpu.memory_space<vmem>> -> memref<128xi32, #tpu.memory_space<vmem>>
              %dma_start3A_447 = arith.constant 0 : i32
              %dma_start3A_448 = tpu.memref_slice %arg12[%scan3A_434, %dma_start3A_447] : memref<16x128xi32, #tpu.memory_space<vmem>> -> memref<1x128xi32, #tpu.memory_space<vmem>>
              %dma_start3A_449 = tpu.memref_squeeze %dma_start3A_448 : memref<1x128xi32, #tpu.memory_space<vmem>> -> memref<128xi32, #tpu.memory_space<vmem>>
              %dma_start3A_450 = arith.constant 0 : i32
              %dma_start3A_451 = tpu.memref_slice %arg5[%dma_start3A_450] : memref<1600000xi32, #tpu.memory_space<hbm>> -> memref<1600000xi32, #tpu.memory_space<hbm>>
              tpu.enqueue_indirect_dma source(%dma_start3A_446 : memref<128xi32, #tpu.memory_space<vmem>>) target(%dma_start3A_451 : memref<1600000xi32, #tpu.memory_space<hbm>>) offsets(%dma_start3A_449 : memref<128xi32, #tpu.memory_space<vmem>>) semaphore(%arg22 : memref<!tpu.dma_semaphore, #tpu.memory_space<semaphore_mem>>)
              %scan3A_452 = arith.constant 0 : i32
              scf.yield %scan3A_452 : i32
            }
            %scan3A_416 = arith.constant 16 : i32
            %dma_wait3A_417 = arith.constant 0 : i32
            %dma_wait3A_418 = tpu.memref_slice %arg10[%dma_wait3A_417] : memref<2048xi32, #tpu.memory_space<vmem>> -> memref<2048xi32, #tpu.memory_space<vmem>>
            %dma_wait3A_419 = arith.constant 0 : i32
            %dma_wait3A_420 = tpu.memref_slice %arg4[%dma_wait3A_419] : memref<1600000xi32, #tpu.memory_space<hbm>> -> memref<2048xi32, #tpu.memory_space<hbm>>
            %dma_wait3A_421 = arith.constant 0 : i32
            %dma_wait3A_422 = tpu.memref_slice %arg10[%dma_wait3A_421] : memref<2048xi32, #tpu.memory_space<vmem>> -> memref<2048xi32, #tpu.memory_space<vmem>>
            %dma_wait3A_423 = arith.constant 0 : i32
            %dma_wait3A_424 = tpu.memref_slice %arg4[%dma_wait3A_423] : memref<1600000xi32, #tpu.memory_space<hbm>> -> memref<2048xi32, #tpu.memory_space<hbm>>
            tpu.wait_dma2 semaphore(%arg22 : memref<!tpu.dma_semaphore, #tpu.memory_space<semaphore_mem>>) src(%dma_wait3A_424 : memref<2048xi32, #tpu.memory_space<hbm>>) dst(%dma_wait3A_422 : memref<2048xi32, #tpu.memory_space<vmem>>)
            %dma_wait3A_425 = arith.constant 0 : i32
            %dma_wait3A_426 = tpu.memref_slice %arg10[%dma_wait3A_425] : memref<2048xi32, #tpu.memory_space<vmem>> -> memref<2048xi32, #tpu.memory_space<vmem>>
            %dma_wait3A_427 = arith.constant 0 : i32
            %dma_wait3A_428 = tpu.memref_slice %arg4[%dma_wait3A_427] : memref<1600000xi32, #tpu.memory_space<hbm>> -> memref<2048xi32, #tpu.memory_space<hbm>>
            %dma_wait3A_429 = arith.constant 0 : i32
            %dma_wait3A_430 = tpu.memref_slice %arg10[%dma_wait3A_429] : memref<2048xi32, #tpu.memory_space<vmem>> -> memref<2048xi32, #tpu.memory_space<vmem>>
            %dma_wait3A_431 = arith.constant 0 : i32
            %dma_wait3A_432 = tpu.memref_slice %arg4[%dma_wait3A_431] : memref<1600000xi32, #tpu.memory_space<hbm>> -> memref<2048xi32, #tpu.memory_space<hbm>>
            tpu.wait_dma2 semaphore(%arg22 : memref<!tpu.dma_semaphore, #tpu.memory_space<semaphore_mem>>) src(%dma_wait3A_432 : memref<2048xi32, #tpu.memory_space<hbm>>) dst(%dma_wait3A_430 : memref<2048xi32, #tpu.memory_space<vmem>>)
            %scan3A_433 = arith.constant 0 : i32
            scf.yield %scan3A_433 : i32
          }
          %scan3A_219 = arith.constant 48 : i32
          %add3A_220 = arith.constant 98304 : i32
          %add3A_221 = arith.addi %mul3A_17, %add3A_220 : i32
          %dma_start3A_222 = arith.constant 0 : i32
          %dma_start3A_223 = tpu.memref_slice %arg10[%dma_start3A_222] : memref<2048xi32, #tpu.memory_space<vmem>> -> memref<1696xi32, #tpu.memory_space<vmem>>
          %dma_start3A_224 = tpu.memref_slice %arg7[%add3A_221] : memref<1600000xi32, #tpu.memory_space<hbm>> -> memref<1696xi32, #tpu.memory_space<hbm>>
          %dma_start3A_225 = arith.constant 0 : i32
          %dma_start3A_226 = tpu.memref_slice %arg10[%dma_start3A_225] : memref<2048xi32, #tpu.memory_space<vmem>> -> memref<1696xi32, #tpu.memory_space<vmem>>
          %dma_start3A_227 = tpu.memref_slice %arg7[%add3A_221] : memref<1600000xi32, #tpu.memory_space<hbm>> -> memref<1696xi32, #tpu.memory_space<hbm>>
          tpu.enqueue_dma source(%dma_start3A_227 : memref<1696xi32, #tpu.memory_space<hbm>>) target(%dma_start3A_226 : memref<1696xi32, #tpu.memory_space<vmem>>) target_semaphore(%arg22 : memref<!tpu.dma_semaphore, #tpu.memory_space<semaphore_mem>>)
          %add3A_228 = arith.constant 98304 : i32
          %add3A_229 = arith.addi %mul3A_17, %add3A_228 : i32
          %dma_start3A_230 = arith.constant 0 : i32
          %dma_start3A_231 = tpu.memref_slice %arg11[%dma_start3A_230] : memref<2048xi32, #tpu.memory_space<vmem>> -> memref<1696xi32, #tpu.memory_space<vmem>>
          %dma_start3A_232 = tpu.memref_slice %arg8[%add3A_229] : memref<1600000xi32, #tpu.memory_space<hbm>> -> memref<1696xi32, #tpu.memory_space<hbm>>
          %dma_start3A_233 = arith.constant 0 : i32
          %dma_start3A_234 = tpu.memref_slice %arg11[%dma_start3A_233] : memref<2048xi32, #tpu.memory_space<vmem>> -> memref<1696xi32, #tpu.memory_space<vmem>>
          %dma_start3A_235 = tpu.memref_slice %arg8[%add3A_229] : memref<1600000xi32, #tpu.memory_space<hbm>> -> memref<1696xi32, #tpu.memory_space<hbm>>
          tpu.enqueue_dma source(%dma_start3A_235 : memref<1696xi32, #tpu.memory_space<hbm>>) target(%dma_start3A_234 : memref<1696xi32, #tpu.memory_space<vmem>>) target_semaphore(%arg22 : memref<!tpu.dma_semaphore, #tpu.memory_space<semaphore_mem>>)
          %dma_wait3A_236 = arith.constant 0 : i32
          %dma_wait3A_237 = tpu.memref_slice %arg11[%dma_wait3A_236] : memref<2048xi32, #tpu.memory_space<vmem>> -> memref<1696xi32, #tpu.memory_space<vmem>>
          %dma_wait3A_238 = tpu.memref_slice %arg8[%add3A_229] : memref<1600000xi32, #tpu.memory_space<hbm>> -> memref<1696xi32, #tpu.memory_space<hbm>>
          %dma_wait3A_239 = arith.constant 0 : i32
          %dma_wait3A_240 = tpu.memref_slice %arg11[%dma_wait3A_239] : memref<2048xi32, #tpu.memory_space<vmem>> -> memref<1696xi32, #tpu.memory_space<vmem>>
          %dma_wait3A_241 = tpu.memref_slice %arg8[%add3A_229] : memref<1600000xi32, #tpu.memory_space<hbm>> -> memref<1696xi32, #tpu.memory_space<hbm>>
          tpu.wait_dma2 semaphore(%arg22 : memref<!tpu.dma_semaphore, #tpu.memory_space<semaphore_mem>>) src(%dma_wait3A_241 : memref<1696xi32, #tpu.memory_space<hbm>>) dst(%dma_wait3A_240 : memref<1696xi32, #tpu.memory_space<vmem>>)
          %dma_wait3A_242 = arith.constant 0 : i32
          %dma_wait3A_243 = tpu.memref_slice %arg10[%dma_wait3A_242] : memref<2048xi32, #tpu.memory_space<vmem>> -> memref<1696xi32, #tpu.memory_space<vmem>>
          %dma_wait3A_244 = tpu.memref_slice %arg7[%add3A_221] : memref<1600000xi32, #tpu.memory_space<hbm>> -> memref<1696xi32, #tpu.memory_space<hbm>>
          %dma_wait3A_245 = arith.constant 0 : i32
          %dma_wait3A_246 = tpu.memref_slice %arg10[%dma_wait3A_245] : memref<2048xi32, #tpu.memory_space<vmem>> -> memref<1696xi32, #tpu.memory_space<vmem>>
          %dma_wait3A_247 = tpu.memref_slice %arg7[%add3A_221] : memref<1600000xi32, #tpu.memory_space<hbm>> -> memref<1696xi32, #tpu.memory_space<hbm>>
          tpu.wait_dma2 semaphore(%arg22 : memref<!tpu.dma_semaphore, #tpu.memory_space<semaphore_mem>>) src(%dma_wait3A_247 : memref<1696xi32, #tpu.memory_space<hbm>>) dst(%dma_wait3A_246 : memref<1696xi32, #tpu.memory_space<vmem>>)
          %scan3A_248 = arith.constant 0 : i32
          %scan3A_249 = arith.constant 0 : i32
          %scan3A_250 = arith.constant 104 : i32
          %scan3A_251 = arith.addi %scan3A_249, %scan3A_250 : i32
          %scan3A_252 = arith.constant 1 : i32
          %scan3A_253 = scf.for %scan3A_373 = %scan3A_249 to %scan3A_251 step %scan3A_252 iter_args(%scan3A_374 = %scan3A_248) -> (i32)  : i32 {
            %jit3A = arith.constant 8 : i32
            %div3A = arith.divsi %scan3A_373, %jit3A : i32
            %sign3A = arith.constant 0 : i32
            %sign3A_375 = arith.cmpi sgt, %scan3A_373, %sign3A : i32
            %sign3A_376 = arith.extui %sign3A_375 : i1 to i32
            %sign3A_377 = arith.constant 0 : i32
            %sign3A_378 = arith.cmpi slt, %scan3A_373, %sign3A_377 : i32
            %sign3A_379 = arith.extui %sign3A_378 : i1 to i32
            %sign3A_380 = arith.subi %sign3A_376, %sign3A_379 : i32
            %sign3A_381 = arith.constant 0 : i32
            %sign3A_382 = arith.cmpi sgt, %jit3A, %sign3A_381 : i32
            %sign3A_383 = arith.extui %sign3A_382 : i1 to i32
            %sign3A_384 = arith.constant 0 : i32
            %sign3A_385 = arith.cmpi slt, %jit3A, %sign3A_384 : i32
            %sign3A_386 = arith.extui %sign3A_385 : i1 to i32
            %sign3A_387 = arith.subi %sign3A_383, %sign3A_386 : i32
            %ne3A = arith.cmpi ne, %sign3A_380, %sign3A_387 : i32
            %rem3A = arith.remsi %scan3A_373, %jit3A : i32
            %ne3A_388 = arith.constant 0 : i32
            %ne3A_389 = arith.cmpi ne, %rem3A, %ne3A_388 : i32
            %and3A_390 = arith.andi %ne3A, %ne3A_389 : i1
            %sub3A_391 = arith.constant 1 : i32
            %sub3A_392 = arith.subi %div3A, %sub3A_391 : i32
            %select_n3A = arith.select %and3A_390, %sub3A_392, %div3A : i32
            %jit3A_393 = arith.constant 8 : i32
            %eq3A_394 = arith.constant 0 : i32
            %eq3A_395 = arith.cmpi eq, %jit3A_393, %eq3A_394 : i32
            %jit3A_396 = arith.constant 1 : i32
            %select_n3A_397 = arith.select %eq3A_395, %jit3A_396, %jit3A_393 : i32
            %rem3A_398 = arith.remsi %scan3A_373, %select_n3A_397 : i32
            %ne3A_399 = arith.constant 0 : i32
            %ne3A_400 = arith.cmpi ne, %rem3A_398, %ne3A_399 : i32
            %lt3A_401 = arith.constant 0 : i32
            %lt3A_402 = arith.cmpi slt, %rem3A_398, %lt3A_401 : i32
            %lt3A_403 = arith.constant 0 : i32
            %lt3A_404 = arith.cmpi slt, %select_n3A_397, %lt3A_403 : i32
            %ne3A_405 = arith.xori %lt3A_402, %lt3A_404 : i1
            %and3A_406 = arith.andi %ne3A_405, %ne3A_400 : i1
            %add3A_407 = arith.addi %rem3A_398, %select_n3A_397 : i32
            %select_n3A_408 = arith.select %and3A_406, %add3A_407, %rem3A_398 : i32
            %mul3A_409 = arith.constant 16 : i32
            %mul3A_410 = arith.muli %select_n3A_408, %mul3A_409 : i32
            %mul3A_411 = arith.constant 16 : i32
            %mul3A_412 = arith.muli %scan3A_373, %mul3A_411 : i32
            %get3A_413 = arith.index_cast %mul3A_412 : i32 to index
            %get3A_414 = tpu.vector_load %arg10[%get3A_413] {strides = array<i32>} : memref<2048xi32, #tpu.memory_space<vmem>>, vector<16xi32>,
            %shift_right_arithmetic3A_415 = arith.constant 9 : i32
            %shift_right_arithmetic3A_416 = vector.broadcast %shift_right_arithmetic3A_415 : i32 to vector<16xi32>
            %shift_right_arithmetic3A_417 = arith.shrsi %get3A_414, %shift_right_arithmetic3A_416 : vector<16xi32>
            %broadcast_in_dim3A_418 = arith.constant true
            %broadcast_in_dim3A_419 = vector.broadcast %broadcast_in_dim3A_418 : i1 to vector<16xi1>
            %unique3A_420, %unique3A_421 = tpu.scan_count mask(%broadcast_in_dim3A_419 : vector<16xi1>) value(%shift_right_arithmetic3A_417 : vector<16xi32>) : vector<16xi1>, vector<16xi32>
            %gather3A_422 = tpu.vector_load_idx %arg21[%shift_right_arithmetic3A_417] : memref<512xi32, #tpu.memory_space<vmem>>[vector<16xi32>], vector<16xi32>,
            %add3A_423 = arith.addi %gather3A_422, %unique3A_421 : vector<16xi32>
            %sub3A_424 = arith.constant 1 : i32
            %sub3A_425 = vector.broadcast %sub3A_424 : i32 to vector<16xi32>
            %sub3A_426 = arith.subi %add3A_423, %sub3A_425 : vector<16xi32>
            tpu.vector_store_idx %arg21[%shift_right_arithmetic3A_417], %unique3A_421 masked %unique3A_420 {add = true} : memref<512xi32, #tpu.memory_space<vmem>>[vector<16xi32>], vector<16xi32>, vector<16xi1>
            %mul3A_427 = arith.constant 16 : i32
            %mul3A_428 = arith.muli %scan3A_373, %mul3A_427 : i32
            %get3A_429 = arith.index_cast %mul3A_428 : i32 to index
            %get3A_430 = tpu.vector_load %arg11[%get3A_429] {strides = array<i32>} : memref<2048xi32, #tpu.memory_space<vmem>>, vector<16xi32>,
            %shift_right_arithmetic3A_431 = arith.constant 12 : i32
            %shift_right_arithmetic3A_432 = vector.broadcast %shift_right_arithmetic3A_431 : i32 to vector<16xi32>
            %shift_right_arithmetic3A_433 = arith.shrsi %get3A_414, %shift_right_arithmetic3A_432 : vector<16xi32>
            %shift_right_arithmetic3A_434 = arith.constant 6 : i32
            %shift_right_arithmetic3A_435 = vector.broadcast %shift_right_arithmetic3A_434 : i32 to vector<16xi32>
            %shift_right_arithmetic3A_436 = arith.shrsi %get3A_414, %shift_right_arithmetic3A_435 : vector<16xi32>
            %and3A_437 = arith.constant 63 : i32
            %and3A_438 = vector.broadcast %and3A_437 : i32 to vector<16xi32>
            %and3A_439 = arith.andi %shift_right_arithmetic3A_436, %and3A_438 : vector<16xi32>
            %and3A_440 = arith.constant 63 : i32
            %and3A_441 = vector.broadcast %and3A_440 : i32 to vector<16xi32>
            %and3A_442 = arith.andi %get3A_414, %and3A_441 : vector<16xi32>
            %mul3A_443 = arith.constant 10000 : i32
            %mul3A_444 = vector.broadcast %mul3A_443 : i32 to vector<16xi32>
            %mul3A_445 = arith.muli %shift_right_arithmetic3A_433, %mul3A_444 : vector<16xi32>
            %mul3A_446 = arith.constant 100 : i32
            %mul3A_447 = vector.broadcast %mul3A_446 : i32 to vector<16xi32>
            %mul3A_448 = arith.muli %and3A_439, %mul3A_447 : vector<16xi32>
            %add3A_449 = arith.addi %mul3A_445, %mul3A_448 : vector<16xi32>
            %add3A_450 = arith.addi %add3A_449, %and3A_442 : vector<16xi32>
            %swap3A_451 = arith.index_cast %select_n3A : i32 to index
            %swap3A_452 = arith.index_cast %mul3A_410 : i32 to index
            %swap3A_453 = tpu.vector_load %arg12[%swap3A_451, %swap3A_452] {strides = array<i32>} : memref<16x128xi32, #tpu.memory_space<vmem>>, vector<16xi32>,
            tpu.vector_store %arg12[%swap3A_451, %swap3A_452], %sub3A_426 {strides = array<i32>} : memref<16x128xi32, #tpu.memory_space<vmem>>, vector<16xi32>,
            %swap3A_454 = arith.index_cast %select_n3A : i32 to index
            %swap3A_455 = arith.index_cast %mul3A_410 : i32 to index
            %swap3A_456 = tpu.vector_load %arg13[%swap3A_454, %swap3A_455] {strides = array<i32>} : memref<16x128xi32, #tpu.memory_space<vmem>>, vector<16xi32>,
            tpu.vector_store %arg13[%swap3A_454, %swap3A_455], %get3A_430 {strides = array<i32>} : memref<16x128xi32, #tpu.memory_space<vmem>>, vector<16xi32>,
            %swap3A_457 = arith.index_cast %select_n3A : i32 to index
            %swap3A_458 = arith.index_cast %mul3A_410 : i32 to index
            %swap3A_459 = tpu.vector_load %arg14[%swap3A_457, %swap3A_458] {strides = array<i32>} : memref<16x128xi32, #tpu.memory_space<vmem>>, vector<16xi32>,
            tpu.vector_store %arg14[%swap3A_457, %swap3A_458], %add3A_450 {strides = array<i32>} : memref<16x128xi32, #tpu.memory_space<vmem>>, vector<16xi32>,
            %scan3A_460 = arith.constant 0 : i32
            scf.yield %scan3A_460 : i32
          }
          %scan3A_254 = arith.constant 104 : i32
          %get3A_255 = arith.constant 1664 : index
          %get3A_256 = tpu.vector_load %arg10[%get3A_255] {strides = array<i32>} : memref<2048xi32, #tpu.memory_space<vmem>>, vector<16xi32>,
          %shift_right_arithmetic3A = arith.constant 9 : i32
          %shift_right_arithmetic3A_257 = vector.broadcast %shift_right_arithmetic3A : i32 to vector<16xi32>
          %shift_right_arithmetic3A_258 = arith.shrsi %get3A_256, %shift_right_arithmetic3A_257 : vector<16xi32>
          %broadcast_in_dim3A_259 = arith.constant true
          %broadcast_in_dim3A_260 = vector.broadcast %broadcast_in_dim3A_259 : i1 to vector<16xi1>
          %unique3A_261, %unique3A_262 = tpu.scan_count mask(%broadcast_in_dim3A_260 : vector<16xi1>) value(%shift_right_arithmetic3A_258 : vector<16xi32>) : vector<16xi1>, vector<16xi32>
          %gather3A_263 = tpu.vector_load_idx %arg21[%shift_right_arithmetic3A_258] : memref<512xi32, #tpu.memory_space<vmem>>[vector<16xi32>], vector<16xi32>,
          %add3A_264 = arith.addi %gather3A_263, %unique3A_262 : vector<16xi32>
          %sub3A_265 = arith.constant 1 : i32
          %sub3A_266 = vector.broadcast %sub3A_265 : i32 to vector<16xi32>
          %sub3A_267 = arith.subi %add3A_264, %sub3A_266 : vector<16xi32>
          tpu.vector_store_idx %arg21[%shift_right_arithmetic3A_258], %unique3A_262 masked %unique3A_261 {add = true} : memref<512xi32, #tpu.memory_space<vmem>>[vector<16xi32>], vector<16xi32>, vector<16xi1>
          %get3A_268 = arith.constant 1664 : index
          %get3A_269 = tpu.vector_load %arg11[%get3A_268] {strides = array<i32>} : memref<2048xi32, #tpu.memory_space<vmem>>, vector<16xi32>,
          %shift_right_arithmetic3A_270 = arith.constant 12 : i32
          %shift_right_arithmetic3A_271 = vector.broadcast %shift_right_arithmetic3A_270 : i32 to vector<16xi32>
          %shift_right_arithmetic3A_272 = arith.shrsi %get3A_256, %shift_right_arithmetic3A_271 : vector<16xi32>
          %shift_right_arithmetic3A_273 = arith.constant 6 : i32
          %shift_right_arithmetic3A_274 = vector.broadcast %shift_right_arithmetic3A_273 : i32 to vector<16xi32>
          %shift_right_arithmetic3A_275 = arith.shrsi %get3A_256, %shift_right_arithmetic3A_274 : vector<16xi32>
          %and3A_276 = arith.constant 63 : i32
          %and3A_277 = vector.broadcast %and3A_276 : i32 to vector<16xi32>
          %and3A_278 = arith.andi %shift_right_arithmetic3A_275, %and3A_277 : vector<16xi32>
          %and3A_279 = arith.constant 63 : i32
          %and3A_280 = vector.broadcast %and3A_279 : i32 to vector<16xi32>
          %and3A_281 = arith.andi %get3A_256, %and3A_280 : vector<16xi32>
          %mul3A_282 = arith.constant 10000 : i32
          %mul3A_283 = vector.broadcast %mul3A_282 : i32 to vector<16xi32>
          %mul3A_284 = arith.muli %shift_right_arithmetic3A_272, %mul3A_283 : vector<16xi32>
          %mul3A_285 = arith.constant 100 : i32
          %mul3A_286 = vector.broadcast %mul3A_285 : i32 to vector<16xi32>
          %mul3A_287 = arith.muli %and3A_278, %mul3A_286 : vector<16xi32>
          %add3A_288 = arith.addi %mul3A_284, %mul3A_287 : vector<16xi32>
          %add3A_289 = arith.addi %add3A_288, %and3A_281 : vector<16xi32>
          %swap3A_290 = arith.constant 0 : index
          %swap3A_291 = tpu.vector_load %arg15[%swap3A_290] {strides = array<i32>} : memref<32xi32, #tpu.memory_space<vmem>>, vector<16xi32>,
          tpu.vector_store %arg15[%swap3A_290], %sub3A_267 {strides = array<i32>} : memref<32xi32, #tpu.memory_space<vmem>>, vector<16xi32>,
          %swap3A_292 = arith.constant 0 : index
          %swap3A_293 = tpu.vector_load %arg16[%swap3A_292] {strides = array<i32>} : memref<32xi32, #tpu.memory_space<vmem>>, vector<16xi32>,
          tpu.vector_store %arg16[%swap3A_292], %get3A_269 {strides = array<i32>} : memref<32xi32, #tpu.memory_space<vmem>>, vector<16xi32>,
          %swap3A_294 = arith.constant 0 : index
          %swap3A_295 = tpu.vector_load %arg17[%swap3A_294] {strides = array<i32>} : memref<32xi32, #tpu.memory_space<vmem>>, vector<16xi32>,
          tpu.vector_store %arg17[%swap3A_294], %add3A_289 {strides = array<i32>} : memref<32xi32, #tpu.memory_space<vmem>>, vector<16xi32>,
          %get3A_296 = arith.constant 1680 : index
          %get3A_297 = tpu.vector_load %arg10[%get3A_296] {strides = array<i32>} : memref<2048xi32, #tpu.memory_space<vmem>>, vector<16xi32>,
          %shift_right_arithmetic3A_298 = arith.constant 9 : i32
          %shift_right_arithmetic3A_299 = vector.broadcast %shift_right_arithmetic3A_298 : i32 to vector<16xi32>
          %shift_right_arithmetic3A_300 = arith.shrsi %get3A_297, %shift_right_arithmetic3A_299 : vector<16xi32>
          %broadcast_in_dim3A_301 = arith.constant true
          %broadcast_in_dim3A_302 = vector.broadcast %broadcast_in_dim3A_301 : i1 to vector<16xi1>
          %unique3A_303, %unique3A_304 = tpu.scan_count mask(%broadcast_in_dim3A_302 : vector<16xi1>) value(%shift_right_arithmetic3A_300 : vector<16xi32>) : vector<16xi1>, vector<16xi32>
          %gather3A_305 = tpu.vector_load_idx %arg21[%shift_right_arithmetic3A_300] : memref<512xi32, #tpu.memory_space<vmem>>[vector<16xi32>], vector<16xi32>,
          %add3A_306 = arith.addi %gather3A_305, %unique3A_304 : vector<16xi32>
          %sub3A_307 = arith.constant 1 : i32
          %sub3A_308 = vector.broadcast %sub3A_307 : i32 to vector<16xi32>
          %sub3A_309 = arith.subi %add3A_306, %sub3A_308 : vector<16xi32>
          tpu.vector_store_idx %arg21[%shift_right_arithmetic3A_300], %unique3A_304 masked %unique3A_303 {add = true} : memref<512xi32, #tpu.memory_space<vmem>>[vector<16xi32>], vector<16xi32>, vector<16xi1>
          %get3A_310 = arith.constant 1680 : index
          %get3A_311 = tpu.vector_load %arg11[%get3A_310] {strides = array<i32>} : memref<2048xi32, #tpu.memory_space<vmem>>, vector<16xi32>,
          %shift_right_arithmetic3A_312 = arith.constant 12 : i32
          %shift_right_arithmetic3A_313 = vector.broadcast %shift_right_arithmetic3A_312 : i32 to vector<16xi32>
          %shift_right_arithmetic3A_314 = arith.shrsi %get3A_297, %shift_right_arithmetic3A_313 : vector<16xi32>
          %shift_right_arithmetic3A_315 = arith.constant 6 : i32
          %shift_right_arithmetic3A_316 = vector.broadcast %shift_right_arithmetic3A_315 : i32 to vector<16xi32>
          %shift_right_arithmetic3A_317 = arith.shrsi %get3A_297, %shift_right_arithmetic3A_316 : vector<16xi32>
          %and3A_318 = arith.constant 63 : i32
          %and3A_319 = vector.broadcast %and3A_318 : i32 to vector<16xi32>
          %and3A_320 = arith.andi %shift_right_arithmetic3A_317, %and3A_319 : vector<16xi32>
          %and3A_321 = arith.constant 63 : i32
          %and3A_322 = vector.broadcast %and3A_321 : i32 to vector<16xi32>
          %and3A_323 = arith.andi %get3A_297, %and3A_322 : vector<16xi32>
          %mul3A_324 = arith.constant 10000 : i32
          %mul3A_325 = vector.broadcast %mul3A_324 : i32 to vector<16xi32>
          %mul3A_326 = arith.muli %shift_right_arithmetic3A_314, %mul3A_325 : vector<16xi32>
          %mul3A_327 = arith.constant 100 : i32
          %mul3A_328 = vector.broadcast %mul3A_327 : i32 to vector<16xi32>
          %mul3A_329 = arith.muli %and3A_320, %mul3A_328 : vector<16xi32>
          %add3A_330 = arith.addi %mul3A_326, %mul3A_329 : vector<16xi32>
          %add3A_331 = arith.addi %add3A_330, %and3A_323 : vector<16xi32>
          %swap3A_332 = arith.constant 16 : index
          %swap3A_333 = tpu.vector_load %arg15[%swap3A_332] {strides = array<i32>} : memref<32xi32, #tpu.memory_space<vmem>>, vector<16xi32>,
          tpu.vector_store %arg15[%swap3A_332], %sub3A_309 {strides = array<i32>} : memref<32xi32, #tpu.memory_space<vmem>>, vector<16xi32>,
          %swap3A_334 = arith.constant 16 : index
          %swap3A_335 = tpu.vector_load %arg16[%swap3A_334] {strides = array<i32>} : memref<32xi32, #tpu.memory_space<vmem>>, vector<16xi32>,
          tpu.vector_store %arg16[%swap3A_334], %get3A_311 {strides = array<i32>} : memref<32xi32, #tpu.memory_space<vmem>>, vector<16xi32>,
          %swap3A_336 = arith.constant 16 : index
          %swap3A_337 = tpu.vector_load %arg17[%swap3A_336] {strides = array<i32>} : memref<32xi32, #tpu.memory_space<vmem>>, vector<16xi32>,
          tpu.vector_store %arg17[%swap3A_336], %add3A_331 {strides = array<i32>} : memref<32xi32, #tpu.memory_space<vmem>>, vector<16xi32>,
          %scan3A_338 = arith.constant 0 : i32
          %scan3A_339 = arith.constant 0 : i32
          %scan3A_340 = arith.constant 13 : i32
          %scan3A_341 = arith.addi %scan3A_339, %scan3A_340 : i32
          %scan3A_342 = arith.constant 1 : i32
          %scan3A_343 = scf.for %scan3A_373 = %scan3A_339 to %scan3A_341 step %scan3A_342 iter_args(%scan3A_374 = %scan3A_338) -> (i32)  : i32 {
            %dma_start3A_375 = arith.constant 0 : i32
            %dma_start3A_376 = tpu.memref_slice %arg13[%scan3A_373, %dma_start3A_375] : memref<16x128xi32, #tpu.memory_space<vmem>> -> memref<1x128xi32, #tpu.memory_space<vmem>>
            %dma_start3A_377 = tpu.memref_squeeze %dma_start3A_376 : memref<1x128xi32, #tpu.memory_space<vmem>> -> memref<128xi32, #tpu.memory_space<vmem>>
            %dma_start3A_378 = arith.constant 0 : i32
            %dma_start3A_379 = tpu.memref_slice %arg12[%scan3A_373, %dma_start3A_378] : memref<16x128xi32, #tpu.memory_space<vmem>> -> memref<1x128xi32, #tpu.memory_space<vmem>>
            %dma_start3A_380 = tpu.memref_squeeze %dma_start3A_379 : memref<1x128xi32, #tpu.memory_space<vmem>> -> memref<128xi32, #tpu.memory_space<vmem>>
            %dma_start3A_381 = arith.constant 0 : i32
            %dma_start3A_382 = tpu.memref_slice %arg4[%dma_start3A_381] : memref<1600000xi32, #tpu.memory_space<hbm>> -> memref<1600000xi32, #tpu.memory_space<hbm>>
            tpu.enqueue_indirect_dma source(%dma_start3A_377 : memref<128xi32, #tpu.memory_space<vmem>>) target(%dma_start3A_382 : memref<1600000xi32, #tpu.memory_space<hbm>>) offsets(%dma_start3A_380 : memref<128xi32, #tpu.memory_space<vmem>>) semaphore(%arg22 : memref<!tpu.dma_semaphore, #tpu.memory_space<semaphore_mem>>)
            %dma_start3A_383 = arith.constant 0 : i32
            %dma_start3A_384 = tpu.memref_slice %arg14[%scan3A_373, %dma_start3A_383] : memref<16x128xi32, #tpu.memory_space<vmem>> -> memref<1x128xi32, #tpu.memory_space<vmem>>
            %dma_start3A_385 = tpu.memref_squeeze %dma_start3A_384 : memref<1x128xi32, #tpu.memory_space<vmem>> -> memref<128xi32, #tpu.memory_space<vmem>>
            %dma_start3A_386 = arith.constant 0 : i32
            %dma_start3A_387 = tpu.memref_slice %arg12[%scan3A_373, %dma_start3A_386] : memref<16x128xi32, #tpu.memory_space<vmem>> -> memref<1x128xi32, #tpu.memory_space<vmem>>
            %dma_start3A_388 = tpu.memref_squeeze %dma_start3A_387 : memref<1x128xi32, #tpu.memory_space<vmem>> -> memref<128xi32, #tpu.memory_space<vmem>>
            %dma_start3A_389 = arith.constant 0 : i32
            %dma_start3A_390 = tpu.memref_slice %arg5[%dma_start3A_389] : memref<1600000xi32, #tpu.memory_space<hbm>> -> memref<1600000xi32, #tpu.memory_space<hbm>>
            tpu.enqueue_indirect_dma source(%dma_start3A_385 : memref<128xi32, #tpu.memory_space<vmem>>) target(%dma_start3A_390 : memref<1600000xi32, #tpu.memory_space<hbm>>) offsets(%dma_start3A_388 : memref<128xi32, #tpu.memory_space<vmem>>) semaphore(%arg22 : memref<!tpu.dma_semaphore, #tpu.memory_space<semaphore_mem>>)
            %scan3A_391 = arith.constant 0 : i32
            scf.yield %scan3A_391 : i32
          }
          %scan3A_344 = arith.constant 13 : i32
          %dma_start3A_345 = arith.constant 0 : i32
          %dma_start3A_346 = tpu.memref_slice %arg4[%dma_start3A_345] : memref<1600000xi32, #tpu.memory_space<hbm>> -> memref<1600000xi32, #tpu.memory_space<hbm>>
          tpu.enqueue_indirect_dma source(%arg16 : memref<32xi32, #tpu.memory_space<vmem>>) target(%dma_start3A_346 : memref<1600000xi32, #tpu.memory_space<hbm>>) offsets(%arg15 : memref<32xi32, #tpu.memory_space<vmem>>) semaphore(%arg22 : memref<!tpu.dma_semaphore, #tpu.memory_space<semaphore_mem>>)
          %dma_start3A_347 = arith.constant 0 : i32
          %dma_start3A_348 = tpu.memref_slice %arg5[%dma_start3A_347] : memref<1600000xi32, #tpu.memory_space<hbm>> -> memref<1600000xi32, #tpu.memory_space<hbm>>
          tpu.enqueue_indirect_dma source(%arg17 : memref<32xi32, #tpu.memory_space<vmem>>) target(%dma_start3A_348 : memref<1600000xi32, #tpu.memory_space<hbm>>) offsets(%arg15 : memref<32xi32, #tpu.memory_space<vmem>>) semaphore(%arg22 : memref<!tpu.dma_semaphore, #tpu.memory_space<semaphore_mem>>)
          %dma_wait3A_349 = arith.constant 0 : i32
          %dma_wait3A_350 = tpu.memref_slice %arg10[%dma_wait3A_349] : memref<2048xi32, #tpu.memory_space<vmem>> -> memref<1664xi32, #tpu.memory_space<vmem>>
          %dma_wait3A_351 = arith.constant 0 : i32
          %dma_wait3A_352 = tpu.memref_slice %arg4[%dma_wait3A_351] : memref<1600000xi32, #tpu.memory_space<hbm>> -> memref<1664xi32, #tpu.memory_space<hbm>>
          %dma_wait3A_353 = arith.constant 0 : i32
          %dma_wait3A_354 = tpu.memref_slice %arg10[%dma_wait3A_353] : memref<2048xi32, #tpu.memory_space<vmem>> -> memref<1664xi32, #tpu.memory_space<vmem>>
          %dma_wait3A_355 = arith.constant 0 : i32
          %dma_wait3A_356 = tpu.memref_slice %arg4[%dma_wait3A_355] : memref<1600000xi32, #tpu.memory_space<hbm>> -> memref<1664xi32, #tpu.memory_space<hbm>>
          tpu.wait_dma2 semaphore(%arg22 : memref<!tpu.dma_semaphore, #tpu.memory_space<semaphore_mem>>) src(%dma_wait3A_356 : memref<1664xi32, #tpu.memory_space<hbm>>) dst(%dma_wait3A_354 : memref<1664xi32, #tpu.memory_space<vmem>>)
          %dma_wait3A_357 = arith.constant 0 : i32
          %dma_wait3A_358 = tpu.memref_slice %arg10[%dma_wait3A_357] : memref<2048xi32, #tpu.memory_space<vmem>> -> memref<1664xi32, #tpu.memory_space<vmem>>
          %dma_wait3A_359 = arith.constant 0 : i32
          %dma_wait3A_360 = tpu.memref_slice %arg4[%dma_wait3A_359] : memref<1600000xi32, #tpu.memory_space<hbm>> -> memref<1664xi32, #tpu.memory_space<hbm>>
          %dma_wait3A_361 = arith.constant 0 : i32
          %dma_wait3A_362 = tpu.memref_slice %arg10[%dma_wait3A_361] : memref<2048xi32, #tpu.memory_space<vmem>> -> memref<1664xi32, #tpu.memory_space<vmem>>
          %dma_wait3A_363 = arith.constant 0 : i32
          %dma_wait3A_364 = tpu.memref_slice %arg4[%dma_wait3A_363] : memref<1600000xi32, #tpu.memory_space<hbm>> -> memref<1664xi32, #tpu.memory_space<hbm>>
          tpu.wait_dma2 semaphore(%arg22 : memref<!tpu.dma_semaphore, #tpu.memory_space<semaphore_mem>>) src(%dma_wait3A_364 : memref<1664xi32, #tpu.memory_space<hbm>>) dst(%dma_wait3A_362 : memref<1664xi32, #tpu.memory_space<vmem>>)
          %dma_wait3A_365 = arith.constant 0 : i32
          %dma_wait3A_366 = tpu.memref_slice %arg4[%dma_wait3A_365] : memref<1600000xi32, #tpu.memory_space<hbm>> -> memref<32xi32, #tpu.memory_space<hbm>>
          %dma_wait3A_367 = arith.constant 0 : i32
          %dma_wait3A_368 = tpu.memref_slice %arg4[%dma_wait3A_367] : memref<1600000xi32, #tpu.memory_space<hbm>> -> memref<32xi32, #tpu.memory_space<hbm>>
          tpu.wait_dma2 semaphore(%arg22 : memref<!tpu.dma_semaphore, #tpu.memory_space<semaphore_mem>>) src(%dma_wait3A_368 : memref<32xi32, #tpu.memory_space<hbm>>) dst(%arg16 : memref<32xi32, #tpu.memory_space<vmem>>)
          %dma_wait3A_369 = arith.constant 0 : i32
          %dma_wait3A_370 = tpu.memref_slice %arg4[%dma_wait3A_369] : memref<1600000xi32, #tpu.memory_space<hbm>> -> memref<32xi32, #tpu.memory_space<hbm>>
          %dma_wait3A_371 = arith.constant 0 : i32
          %dma_wait3A_372 = tpu.memref_slice %arg4[%dma_wait3A_371] : memref<1600000xi32, #tpu.memory_space<hbm>> -> memref<32xi32, #tpu.memory_space<hbm>>
          tpu.wait_dma2 semaphore(%arg22 : memref<!tpu.dma_semaphore, #tpu.memory_space<semaphore_mem>>) src(%dma_wait3A_372 : memref<32xi32, #tpu.memory_space<hbm>>) dst(%arg17 : memref<32xi32, #tpu.memory_space<vmem>>)
        } else {
        }
        %scan3A_15 = arith.constant 0 : i32
        scf.yield %scan3A_15 : i32
      }
      %scan3A_7 = arith.constant 8 : i32
    } else {
    }
    return
  }
}

</mosaic_0001>

<sc_bundles>
// kernel: kernel.3.cloned.1.call-start
scs
__scs_entry_jumppad:
0x0: {  	(pc) =	sbr.rel $0x88, $3  }
0x1: {  	(tag) =	ssettag $0x0;
	lr =	simm.s32 $0x1  }
0x2: {  	[smem:$0x3FA0] =	sst lr;
	_ =	strace $0xD0000000  }
0x3: {  	_ = 	snop  }
0x4: {  	_ = 	snop  }
0x5: {  	_ = 	snop  }
0x6: {  	_ = 	snop  }
0x7: {  	_ = 	snop  }
__scs_overlays_trampoline_lowered:
0x8: {  	[smem:$0x3FAF] =	sst s0  }
0x9: {  	[smem:$0x3FB0] =	sst s1  }
0xa: {  	[smem:$0x3FB1] =	sst s2  }
0xb: {  	[smem:$0x3FB2] =	sst s3  }
0xc: {  	[smem:$0x3FB3] =	sst s4  }
0xd: {  	[smem:$0x3FB4] =	sst s5  }
0xe: {  	[smem:$0x3FB5] =	sst s6  }
0xf: {  	[smem:$0x3FB6] =	sst s7  }
0x10: {  	[smem:$0x3FB7] =	sst s8  }
0x11: {  	[smem:$0x3FB8] =	sst s9;
	s0 =	simm.s32 @!p0 $0x0  }
0x12: {  	s1 =	sld [smem:$0x3F9E];
	s0 =	simm.s32 @p0 $0x1  }
0x13: {  	[smem:$0x3FB9] =	sst s0;
	s0 =	simm.s32 @!p1 $0x0  }
0x14: {  	s2 =	sld [smem:$0x3F9D];
	s0 =	simm.s32 @p1 $0x1  }
0x15: {  	[smem:$0x3FBA] =	sst s0;
	s0 =	simm.s32 @!p2 $0x0  }
0x16: {  	s3 =	sld [smem:$0x3FDB];
	s0 =	simm.s32 @p2 $0x1  }
0x17: {  	s4 =	simm.s32 $0x1BF5;
	[smem:$0x3FBC] =	sst s0  }
0x18: {  	s0 =	sld [smem:$0x3F9F];
	_ =	swait.ge [sflag:s4], $0x0  }
0x19: {  	s7 =	sld [smem:$0x3FA0]  }
0x1a: {  	s8 =	sadd.s32 $0xFFFFE003, lr  }
0x1b: {  	s9 =	sadd.s32 $0xFFFFFEF7, lr;
	s5 =	simm.s32 $0xFFFFFFFF;
	p2 =	slt.u32 s8, $0xFFFFF086  }
0x1c: {  	p1 =	slt.u32 s9, $0xF7A;
	s5 =	simm.s32 @!p2 $0x0  }
0x1d: {  	s5 =	simm.s32 @p1 $0x1;
	p0 =	seq.s32 s7, s2  }
0x1e: {  	s7 =	smul.u32 @!p0 $0xF7A, s2;
	p2 =	seq.s32 @!p0 s5, $0x0  }
0x1f: {  	s9 =	smul.u32 $0xF7A, s1;
	s8 =	simm.s32 @!p0 $0x1BF5;
	p2 =	por !p2, p0  }
0x20: {  	[sflag:s8] =	ssyncset.s32 @!p0 $0xFFFFF086;
	s6 =	sadd.s32 @!p0 s3, s7;
	s7 =	simm.s32 @!p0 $0x108  }
0x21: {  	s3 =	sadd.s32 s3, s9;
	s6 =	sadd.s32 @!p0 $0x88, s6;
	s7 =	simm.s32 @p2 $0x1082  }
0x22: {  	[simem:s7], [sflag:s8] =	dma.local @!p0 [hbm:s6], $0xF7A  }
0x23: {  	s9 =	sor.u32 $0xD0000000, s2;
	s6 =	simm.s32 $0x108;
	_ =	swait.ge @!p0 [sflag:s8], $0x0  }
0x24: {  	s3 =	sadd.s32 $0x88, s3;
	s6 =	simm.s32 @!p1 $0x1082;
	[sflag:s4] =	ssyncset.s32 $0xFFFFF086  }
0x25: {  	[simem:s6], [sflag:s4] =	dma.local [hbm:s3], $0xF7A  }
0x26: {  	[smem:$0x3FA0] =	sst s1;
	(tag) =	ssettag s2;
	_ =	strace s9  }
0x27: {  	s1 =	sld [smem:$0x3FB0]  }
0x28: {  	s2 =	sld [smem:$0x3FB1]  }
0x29: {  	s4 =	sld [smem:$0x3FB3]  }
0x2a: {  	p0 =	seq.s32 s5, $0x0;
	s5 =	sld [smem:$0x3FB4]  }
0x2b: {  	s6 =	sld [smem:$0x3FB5]  }
0x2c: {  	s7 =	sld [smem:$0x3FB6]  }
0x2d: {  	s3 =	simm.s32 $0x108;
	s8 =	sld [smem:$0x3FB7]  }
0x2e: {  	s3 =	simm.s32 @!p0 $0x1082;
	s9 =	sld [smem:$0x3FB8]  }
0x2f: {  	lr =	sadd.s32 s0, s3;
	s0 =	sld [smem:$0x3FAF]  }
0x30: {  	s3 =	sld [smem:$0x3FB2]  }
0x31: {  	[smem:$0x3FBB] =	sst s10  }
0x32: {  	s10 =	sld [smem:$0x3FB9];
	_ =	sdelay $0x3  }
0x33: {  	p0 =	seq.s32 s10, $0x1;
	s10 =	sld [smem:$0x3FBB];
	_ =	sdelay $0x3  }
0x34: {  	[smem:$0x3FBB] =	sst s10  }
0x35: {  	s10 =	sld [smem:$0x3FBA];
	_ =	sdelay $0x3  }
0x36: {  	p1 =	seq.s32 s10, $0x1;
	s10 =	sld [smem:$0x3FBB];
	_ =	sdelay $0x3  }
0x37: {  	[smem:$0x3FBB] =	sst s10  }
0x38: {  	s10 =	sld [smem:$0x3FBC]  }
0x39: {  	_ = 	snop;
	(pc) =	sbr.ind lr, $3  }
0x3a: {  	_ = 	snop  }
0x3b: {  	_ = 	snop  }
0x3c: {  	p2 =	seq.s32 s10, $0x1;
	s10 =	sld [smem:$0x3FBB]  }
0x3d: {  	_ =	shalt  }
0x3e: {  	_ =	shalt  }
0x3f: {  	_ =	shalt  }
0x40: {  	_ =	shalt  }
0x41: {  	_ =	shalt  }
0x42: {  	_ =	shalt  }
0x43: {  	_ =	shalt  }
0x44: {  	_ =	shalt  }
0x45: {  	_ =	shalt  }
0x46: {  	_ =	shalt  }
0x47: {  	_ =	shalt  }
0x48: {  	_ =	shalt  }
0x49: {  	_ =	shalt  }
0x4a: {  	_ =	shalt  }
0x4b: {  	_ =	shalt  }
0x4c: {  	_ =	shalt  }
0x4d: {  	_ =	shalt  }
0x4e: {  	_ =	shalt  }
0x4f: {  	_ =	shalt  }
0x50: {  	_ =	shalt  }
0x51: {  	_ =	shalt  }
0x52: {  	_ =	shalt  }
0x53: {  	_ =	shalt  }
0x54: {  	_ =	shalt  }
0x55: {  	_ =	shalt  }
0x56: {  	_ =	shalt  }
0x57: {  	_ =	shalt  }
0x58: {  	_ =	shalt  }
0x59: {  	_ =	shalt  }
0x5a: {  	_ =	shalt  }
0x5b: {  	_ =	shalt  }
0x5c: {  	_ =	shalt  }
0x5d: {  	_ =	shalt  }
0x5e: {  	_ =	shalt  }
0x5f: {  	_ =	shalt  }
0x60: {  	_ =	shalt  }
0x61: {  	_ =	shalt  }
0x62: {  	_ =	shalt  }
0x63: {  	_ =	shalt  }
0x64: {  	_ =	shalt  }
0x65: {  	_ =	shalt  }
0x66: {  	_ =	shalt  }
0x67: {  	_ =	shalt  }
0x68: {  	_ =	shalt  }
0x69: {  	_ =	shalt  }
0x6a: {  	_ =	shalt  }
0x6b: {  	_ =	shalt  }
0x6c: {  	_ =	shalt  }
0x6d: {  	_ =	shalt  }
0x6e: {  	_ =	shalt  }
0x6f: {  	_ =	shalt  }
0x70: {  	_ =	shalt  }
0x71: {  	_ =	shalt  }
0x72: {  	_ =	shalt  }
0x73: {  	_ =	shalt  }
0x74: {  	_ =	shalt  }
0x75: {  	_ =	shalt  }
0x76: {  	_ =	shalt  }
0x77: {  	_ =	shalt  }
0x78: {  	_ =	shalt  }
0x79: {  	_ =	shalt  }
0x7a: {  	_ =	shalt  }
0x7b: {  	_ =	shalt  }
0x7c: {  	_ =	shalt  }
0x7d: {  	_ =	shalt  }
0x7e: {  	_ =	shalt  }
0x7f: {  	_ =	shalt  }
0x80: {  	_ =	shalt  }
0x81: {  	_ =	shalt  }
0x82: {  	_ =	shalt  }
0x83: {  	_ =	shalt  }
0x84: {  	_ =	shalt  }
0x85: {  	_ =	shalt  }
0x86: {  	_ =	shalt  }
0x87: {  	_ =	shalt  }
.Lfunc_end0:
.L_simem_size_0:
called_computation_lowered:
.L_overlay_start_0:
0x88: {  	s2 =	sld [smem:$0x3FD9]  }
0x89: {  	s3 =	sld [smem:$0x3FFE];
	_ =	sdelay $0x1  }
0x8a: {  	s1 =	srdreg.scid  }
0x8b: {  	s0 =	sand.u32 $0x1, s1  }
0x8c: {  	s14 =	sshll.u32 s0, $0xA;
	s2 =	sadd.s32 s3, s2  }
0x8d: {  	s2 =	sadd.s32 s2, s14  }
0x8e: {  	[smem:$0x3FC7] =	sst s2  }
0x8f: {  	_ = 	snop  }
0x90: {  	s2 =	sld [smem:$0x3FD0];
	_ =	sdelay $0x2  }
0x91: {  	s15 =	simm.s32 $0xA;
	s4 =	simm.s32 $0x10  }
0x92: {  	[smem:s4], [sflag:s15] =	dma.local [hbm:s2], $0x1  }
0x93: {  	_ =	swait.eq [sflag:s15], $0x1  }
0x94: {  	s16 =	sld [smem:$0x10];
	[sflag:s15] =	ssyncset.done $0x0  }
0x95: {  	s17 =	sld [smem:$0x11];
	[sflag:s15] =	ssyncadd.s32 $0xFFFFFFFF  }
0x96: {  	s18 =	sld [smem:$0x12];
	(tm) =	ssettm $0x1  }
0x97: {  	s5 =	sld [smem:$0x3FFB];
	_ =	sdelay $0x3  }
0x98: {  	_ =	strace s5  }
0x99: {  	s5 =	sld [smem:$0x3FFC];
	_ =	sdelay $0x3  }
0x9a: {  	_ =	strace s5  }
0x9b: {  	s5 =	sld [smem:$0x3FFD];
	_ =	sdelay $0x3  }
0x9c: {  	_ =	strace s5  }
0x9d: {  	_ =	strace $0x8FFFFFFF  }
0x9e: {  	s19 =	sld [smem:$0x3FDB];
	_ =	sdelay $0x1  }
0x9f: {  	s6 =	simm.s32 $_scs_section_size  }
0xa0: {  	s7 =	simm.s32 $_size__tile_overlayer_lowered;
	s8 =	simm.s32 $_tile_overlayer_lowered  }
0xa1: {  	s22 =	simm.s32 $0x1BFF;
	s21 =	sshll.u32 s8, $0x1;
	s5 =	sadd.s32 s6, s19  }
0xa2: {  	s9 =	simm.s32 $0x0;
	s20 =	sshll.u32 s7, $0x1;
	s7 =	sadd.s32 s21, s5  }
0xa3: {  	[timem:s9], [sflag:s22] =	dma.local [hbm:s7], s20  }
0xa4: {  	_ =	swait.ge [sflag:s22], s20  }
0xa5: {  	s6 =	ssub.s32 $0x0, s20;
	[sflag:s22] =	ssyncset.done $0x0  }
0xa6: {  	[sflag:s22] =	ssyncadd.s32 s6;
	_ =	sdelay $0x1  }
0xa7: {  	s23 =	simm.s32 $0x1B8B  }
0xa8: {  	_ =	swait.ge [sflag:s23], $0x1  }
0xa9: {  	[sflag:s23] =	ssyncset.done $0x0  }
0xaa: {  	s25 =	simm.s32 $0x1B8E;
	s24 =	sld [smem:$0x3FFE];
	[sflag:s23] =	ssyncadd.s32 $0xFFFFFFFF  }
0xab: {  	s26 =	simm.s32 $execute0_lowered;
	[smem:$0x3FD2] =	sst s25  }
0xac: {  	s7 =	sshll.u32 s26, $0x1;
	_ =	strace $0x80000046;
	[dreg:$0x1] =	wrdreg $0xFFFFFFFF  }
0xad: {  	s28 =	simm.s32 $_size_execute0_lowered;
	s5 =	sadd.s32 s5, s7;
	[dreg:$0x0] =	wrdreg $0x0  }
0xae: {  	s7 =	sshll.u32 s28, $0x1;
	[dreg:$0x2] =	wrdreg s5  }
0xaf: {  	[dreg:$0x3] =	wrdreg s7  }
0xb0: {  	[dreg:$0x4] =	wrdreg $0xC0  }
0xb1: {  	_ =	task [dreg:s9], $0x5FFFF  }
0xb2: {  	[dreg:$0x1] =	wrdreg $0xFFFFFFFF  }
0xb3: {  	[dreg:$0x0] =	wrdreg $0x60  }
0xb4: {  	[dreg:$0x2] =	wrdreg s24  }
0xb5: {  	[dreg:$0x3] =	wrdreg s16  }
0xb6: {  	[dreg:$0x4] =	wrdreg s17  }
0xb7: {  	[dreg:$0x5] =	wrdreg s18  }
0xb8: {  	[dreg:$0x6] =	wrdreg $0x9  }
0xb9: {  	_ =	task.clear_ibuf [dreg:s9], $0x7FFFF;
	_ =	strace $0x90000046  }
0xba: {  	s29 =	simm.s32 $0x9;
	_ =	strace $0x80000048  }
0xbb: {  	_ =	swait.ge [sflag:s29], $0x1  }
0xbc: {  	[sflag:s29] =	ssyncadd.s32 $0xFFFFFFFF  }
0xbd: {  	_ =	strace $0x90000048  }
0xbe: {  	_ =	sfence  }
0xbf: {  	s30 =	sld [smem:$0x0];
	_ =	sdelay $0x2  }
0xc0: {  	s31 =	sshll.u32 s1, $0xD;
	s1 =	sshrl.u32 s1, $0x2  }
0xc1: {  	s3 =	sand.u32 $0x4000, s31;
	s1 =	sadd.s32 s1, s30  }
0xc2: {  	s0 =	sor.u32 s3, s0;
	s1 =	sshll.u32 s1, $0x11  }
0xc3: {  	s0 =	sor.u32 s1, s0  }
0xc4: {  	s0 =	sadd.s32 $0x8F2B, s0  }
0xc5: {  	[sflag:s0] =	ssyncadd.remote.s32 $0x1  }
0xc6: {  	_ =	sfence.sel $0xFFFF  }
0xc7: {  	[dreg:$0x0] =	wrdreg $0xFFFFFFFF;
	(pc) =	sbr.abs _section_cstart, $3  }
0xc8: {  	[dreg:$0x1] =	wrdreg $0xFFFFFFFF  }
0xc9: {  	_ =	task.clear_ibuf [dreg:s9], $0x2FFFF;
	_ =	strace $0x9FFFFFFF  }
0xca: {  	(tm) =	ssettm $0x7FFFFFFF  }
0xcb: {  	_ =	shalt  }
tec
execute0_lowered:
.L_overlay_start_1:
0x0: {  	(tag) =	ssettag $0x1  }
0x1: {  	s1 =	stileid.u32  }
0x2: {  	p0 =	sne.s32 s1, $0x0  }
.Ltmp0:
0x3: {  	s0 =	rddreg [dreg:$0x0];
	(pc) =	sbr.rel @p0 .LBB2_29-.Ltmp0, $4  }
0x4: {  	s16 =	rddreg [dreg:$0x1]  }
0x5: {  	s2 =	rddreg [dreg:$0x2];
	s4 =	simm.s32 $0x0  }
0x6: {  	[smem:$0x7FF] =	sst s4  }
0x7: {  	s25 =	rddreg [dreg:$0x3];
	_ =	strace $0x80000047  }
0x8: {  	s1 =	srdreg.scid;
	s29 =	sadd.s32 $0x186B800, s0  }
0x9: {  	s6 =	sadd.s32 $0x63400, s0;
	s7 =	sadd.s32 $0x1800, s0;
	s8 =	sadd.s32 $0x32600, s0  }
0xa: {  	s12 =	simm.s32 $0x1;
	s13 =	simm.s32 $0x4180;
	s14 =	simm.s32 $0x4380  }
0xb: {  	s15 =	simm.s32 $0x1800;
	s30 =	simm.s32 $0x2000;
	s17 =	simm.s32 $0x4580  }
0xc: {  	s18 =	simm.s32 $0x80;
	s21 =	simm.s32 $0x2B80;
	s31 =	simm.s32 $0x2C80  }
0xd: {  	s20 =	simm.s32 $0x2D80;
	s28 =	simm.s32 $0x2E00;
	s1 =	sand.u32 $0x1, s1  }
0xe: {  	[dreg:$0x5] =	wrdreg s29;
	s3 =	ssub.s32 $0x2, s1;
	s9 =	smul.u32 $0x186A0, s1  }
0xf: {  	v0 =	vlaneseq.u32;
	s23 =	sshll.u32 s1, $0x3;
	s1 =	simm.s32 $0x2D00;
	s5 =	sshrl.u32 s3, $0x1  }
0x10: {  	v1 =	vmul.u32 $0x3, v0;
	[dreg:$0x6] =	wrdreg s23;
	s24 =	ssub.s32 s3, s5;
	s26 =	sadd.s32 s9, s7  }
0x11: {  	v2 =	vimm.s32 $0x0;
	v5 =	vor.u32 $0x18680, v0;
	s23 =	simm.s32 $0x4780;
	s0 =	smax.u32 s24, $0x1;
	[dreg:$0x8] =	wrdreg s26  }
0x12: {  	v6 =	vor.u32 $0x18690, v0;
	v3 =	vadd.s32 $0x1, v1;
	v4 =	vadd.s32 $0x2, v1;
	s3 =	simm.s32 $0x0;
	s26 =	simm.s32 $0x2C00;
	[dreg:$0x7] =	wrdreg s0  }
.LBB2_2:
0x13: {  	[dreg:$0x9] =	wrdreg s3  }
0x14: {  	s3 =	simm.s32 $0x0;
	s24 =	rddreg [dreg:$0x8]  }
.LBB2_3:
0x15: {  	[tilespmem:$0x4180] =	vst v2  }
0x16: {  	[tilespmem:$0x4190] =	vst v2  }
0x17: {  	[tilespmem:$0x41A0] =	vst v2  }
0x18: {  	[tilespmem:$0x41B0] =	vst v2  }
0x19: {  	[tilespmem:$0x41C0] =	vst v2  }
0x1a: {  	[tilespmem:$0x41D0] =	vst v2  }
0x1b: {  	[tilespmem:$0x41E0] =	vst v2  }
0x1c: {  	[tilespmem:$0x41F0] =	vst v2  }
0x1d: {  	[tilespmem:$0x4200] =	vst v2  }
0x1e: {  	[tilespmem:$0x4210] =	vst v2  }
0x1f: {  	[tilespmem:$0x4220] =	vst v2  }
0x20: {  	[tilespmem:$0x4230] =	vst v2  }
0x21: {  	[tilespmem:$0x4240] =	vst v2  }
0x22: {  	[tilespmem:$0x4250] =	vst v2  }
0x23: {  	[tilespmem:$0x4260] =	vst v2  }
0x24: {  	[tilespmem:$0x4270] =	vst v2  }
0x25: {  	[tilespmem:$0x4280] =	vst v2  }
0x26: {  	[tilespmem:$0x4290] =	vst v2  }
0x27: {  	[tilespmem:$0x42A0] =	vst v2  }
0x28: {  	[tilespmem:$0x42B0] =	vst v2  }
0x29: {  	[tilespmem:$0x42C0] =	vst v2  }
0x2a: {  	[tilespmem:$0x42D0] =	vst v2  }
0x2b: {  	[tilespmem:$0x42E0] =	vst v2  }
0x2c: {  	[tilespmem:$0x42F0] =	vst v2  }
0x2d: {  	[tilespmem:$0x4300] =	vst v2  }
0x2e: {  	[tilespmem:$0x4310] =	vst v2  }
0x2f: {  	[tilespmem:$0x4320] =	vst v2  }
0x30: {  	[tilespmem:$0x4330] =	vst v2  }
0x31: {  	[tilespmem:$0x4340] =	vst v2  }
0x32: {  	[tilespmem:$0x4350] =	vst v2  }
0x33: {  	[tilespmem:$0x4360] =	vst v2  }
0x34: {  	[tilespmem:$0x4370] =	vst v2  }
0x35: {  	[tilespmem:$0x4380] =	vst v2  }
0x36: {  	[tilespmem:$0x4390] =	vst v2  }
0x37: {  	[tilespmem:$0x43A0] =	vst v2  }
0x38: {  	[tilespmem:$0x43B0] =	vst v2  }
0x39: {  	[tilespmem:$0x43C0] =	vst v2  }
0x3a: {  	[tilespmem:$0x43D0] =	vst v2  }
0x3b: {  	[tilespmem:$0x43E0] =	vst v2  }
0x3c: {  	[tilespmem:$0x43F0] =	vst v2  }
0x3d: {  	[tilespmem:$0x4400] =	vst v2  }
0x3e: {  	[tilespmem:$0x4410] =	vst v2  }
0x3f: {  	[tilespmem:$0x4420] =	vst v2  }
0x40: {  	[tilespmem:$0x4430] =	vst v2  }
0x41: {  	[tilespmem:$0x4440] =	vst v2  }
0x42: {  	[tilespmem:$0x4450] =	vst v2  }
0x43: {  	[tilespmem:$0x4460] =	vst v2  }
0x44: {  	[tilespmem:$0x4470] =	vst v2  }
0x45: {  	[tilespmem:$0x4480] =	vst v2  }
0x46: {  	[tilespmem:$0x4490] =	vst v2  }
0x47: {  	[tilespmem:$0x44A0] =	vst v2  }
0x48: {  	[tilespmem:$0x44B0] =	vst v2  }
0x49: {  	[tilespmem:$0x44C0] =	vst v2  }
0x4a: {  	[tilespmem:$0x44D0] =	vst v2  }
0x4b: {  	[tilespmem:$0x44E0] =	vst v2  }
0x4c: {  	[tilespmem:$0x44F0] =	vst v2  }
0x4d: {  	[tilespmem:$0x4500] =	vst v2  }
0x4e: {  	[tilespmem:$0x4510] =	vst v2  }
0x4f: {  	[tilespmem:$0x4520] =	vst v2  }
0x50: {  	[tilespmem:$0x4530] =	vst v2  }
0x51: {  	[tilespmem:$0x4540] =	vst v2  }
0x52: {  	[tilespmem:$0x4550] =	vst v2;
	s0 =	rddreg [dreg:$0x6]  }
0x53: {  	[tilespmem:$0x4560] =	vst v2;
	s0 =	sadd.s32 s0, s3  }
0x54: {  	[dreg:$0xa] =	wrdreg s3;
	[tilespmem:$0x4570] =	vst v2;
	s10 =	simm.s32 $0x0;
	s0 =	smul.u32 $0x186A0, s0  }
.LBB2_4:
0x55: {  	s3 =	simm.s32 $0x0  }
0x56: {  	s9 =	sshll.u32 s10, $0xB;
	v7 =	vmov s3  }
0x57: {  	s11 =	sadd.s32 s0, s9;
	v7 =	vmul.u32 $0x3, v7  }
0x58: {  	s9 =	smul.u32 $0x3, s11  }
0x59: {  	v7 =	vbroadcast v7, $0x0  }
0x5a: {  	s9 =	sshrl.u32 s9, $0x3  }
0x5b: {  	s9 =	sadd.s32 s29, s9;
	v8 =	vadd.s32 v3, v7  }
0x5c: {  	[tilespmem:s3], [sflag:$0x1] =	stream.linear.gather [hbm4b:s9+s3], $0x1800, $0x38;
	v9 =	vadd.s32 v1, v7;
	[tilespmem:$0x4980] =	vst v63  }
0x5d: {  	v7 =	vadd.s32 v4, v7;
	_ =	swait.ge [sflag:s12], $0x1800  }
0x5e: {  	[sflag:s12] =	ssyncset.done $0x0  }
0x5f: {  	[sflag:s12] =	ssyncadd.s32 $0xFFFFE800  }
0x60: {  	v8 =	vld.idx.msk [tilespmem:v8+s4+$0x0], $0xffff  }
0x61: {  	v9 =	vld.idx.msk [tilespmem:v9+s4+$0x0], $0xffff  }
0x62: {  	v7 =	vld.idx.msk [tilespmem:v7+s4+$0x0], $0xffff;
	_ =	sdelay $0x3  }
0x63: {  	v9 =	vmul.f32 $6.300000000e+01, v9;
	v8 =	vmul.f32 $6.300000000e+01, v8  }
0x64: {  	v7 =	vmul.f32 $6.300000000e+01, v7  }
0x65: {  	v9 =	vtrunc.f32 v9;
	v8 =	vtrunc.f32 v8  }
0x66: {  	v9 =	vcvt.f32.s32 v9;
	v8 =	vcvt.f32.s32 v8  }
0x67: {  	v7 =	vtrunc.f32 v7  }
0x68: {  	v7 =	vcvt.f32.s32 v7;
	v10 =	vshll.u32 v9, $0xC;
	v11 =	vshll.u32 v8, $0x6  }
0x69: {  	v10 =	vadd.s32 v10, v11  }
0x6a: {  	v10 =	vadd.s32 v7, v10  }
0x6b: {  	v11 =	vand.u32 $0x1FF, v10  }
0x6c: {  	v12 =	vshra.s32 v10, $0x9;
	(xrf1) =	vunique.msk.u32 $0xffff, v11  }
0x6d: {  	(xrf1) =	vunique.msk.u32 $0xffff, v12;
	_ =	sdelay $0x9  }
0x6e: {  	s5 =	simm.s32 $0x10  }
0x6f: {  	v13 =	vmov s5  }
0x70: {  	v13 =	vmul.u32 $0x3, v13  }
0x71: {  	_, v14, vm0 =	vpop (xrf1)  }
0x72: {  	v13 =	vbroadcast v13, $0x0;
	v9 =	vmul.u32 $0x2710, v9;
	v8 =	vmul.u32 $0x64, v8;
	_, v15, vm1 =	vpop (xrf1);
	_ =	sdelay $0x1  }
0x73: {  	s9 =	simm.s32 $0x1800;
	v8 =	vadd.s32 v9, v8;
	v9 =	vadd.s32 v3, v13  }
0x74: {  	s19 =	simm.s32 $0x2000;
	[tilespmem:s9+$0x0] =	vst v10;
	v10 =	vadd.s32 v1, v13;
	v7 =	vadd.s32 v7, v8  }
0x75: {  	v8 =	vadd.s32 v4, v13;
	[tilespmem:s19+$0x0] =	vst v7  }
0x76: {  	[tilespmem:v11+s13+$0x0] =	vst.idx.add.s32.msk vm0, v14  }
0x77: {  	[tilespmem:v12+s14+$0x0] =	vst.idx.add.s32.msk vm1, v15  }
0x78: {  	v7 =	vld.idx.msk [tilespmem:v9+s4+$0x0], $0xffff  }
0x79: {  	v9 =	vld.idx.msk [tilespmem:v10+s4+$0x0], $0xffff  }
0x7a: {  	v8 =	vld.idx.msk [tilespmem:v8+s4+$0x0], $0xffff;
	_ =	sdelay $0x3  }
0x7b: {  	v9 =	vmul.f32 $6.300000000e+01, v9;
	v7 =	vmul.f32 $6.300000000e+01, v7  }
0x7c: {  	v8 =	vmul.f32 $6.300000000e+01, v8  }
0x7d: {  	v9 =	vtrunc.f32 v9;
	v7 =	vtrunc.f32 v7  }
0x7e: {  	v9 =	vcvt.f32.s32 v9;
	v10 =	vcvt.f32.s32 v7  }
0x7f: {  	v7 =	vtrunc.f32 v8  }
0x80: {  	v7 =	vcvt.f32.s32 v7;
	v8 =	vshll.u32 v9, $0xC;
	v11 =	vshll.u32 v10, $0x6  }
0x81: {  	v8 =	vadd.s32 v8, v11  }
0x82: {  	v12 =	vadd.s32 v7, v8  }
0x83: {  	v8 =	vand.u32 $0x1FF, v12  }
0x84: {  	v11 =	vshra.s32 v12, $0x9;
	(xrf1) =	vunique.msk.u32 $0xffff, v8  }
0x85: {  	(xrf1) =	vunique.msk.u32 $0xffff, v11;
	_ =	sdelay $0x9  }
0x86: {  	s22 =	simm.s32 $0x20  }
0x87: {  	v13 =	vmov s22  }
0x88: {  	s3 =	simm.s32 $0x1810;
	v13 =	vmul.u32 $0x3, v13  }
0x89: {  	s22 =	simm.s32 $0x30;
	[tilespmem:s3+$0x0] =	vst v12;
	_, v12, vm0 =	vpop (xrf1)  }
.LBB2_5:
0x8a: {  	p1 =	sne.s32 s22, $0x7F0;
	v13 =	vbroadcast v13, $0x0;
	v9 =	vmul.u32 $0x2710, v9;
	v10 =	vmul.u32 $0x64, v10;
	_, v14, vm1 =	vpop (xrf1);
	_ =	sdelay $0x1  }
0x8b: {  	v15 =	vadd.s32 v3, v13;
	v9 =	vadd.s32 v9, v10  }
0x8c: {  	s19 =	sadd.s32 $0x10, s19;
	v10 =	vadd.s32 v1, v13;
	v7 =	vadd.s32 v7, v9  }
0x8d: {  	v9 =	vadd.s32 v4, v13;
	[tilespmem:s19+$0x0] =	vst v7  }
0x8e: {  	[tilespmem:v8+s13+$0x0] =	vst.idx.add.s32.msk vm0, v12  }
0x8f: {  	[tilespmem:v11+s14+$0x0] =	vst.idx.add.s32.msk vm1, v14  }
0x90: {  	v7 =	vld.idx.msk [tilespmem:v15+s4+$0x0], $0xffff  }
0x91: {  	v8 =	vld.idx.msk [tilespmem:v10+s4+$0x0], $0xffff  }
0x92: {  	v9 =	vld.idx.msk [tilespmem:v9+s4+$0x0], $0xffff;
	_ =	sdelay $0x4  }
0x93: {  	v7 =	vmul.f32 $6.300000000e+01, v7;
	v8 =	vmul.f32 $6.300000000e+01, v8  }
0x94: {  	v11 =	vmul.f32 $6.300000000e+01, v9  }
0x95: {  	v7 =	vtrunc.f32 v7;
	v8 =	vtrunc.f32 v8  }
0x96: {  	v10 =	vcvt.f32.s32 v7;
	v9 =	vcvt.f32.s32 v8  }
0x97: {  	v7 =	vtrunc.f32 v11  }
0x98: {  	v7 =	vcvt.f32.s32 v7;
	v11 =	vshll.u32 v10, $0x6;
	v8 =	vshll.u32 v9, $0xC  }
0x99: {  	v8 =	vadd.s32 v8, v11  }
0x9a: {  	s3 =	sadd.s32 $0x10, s3;
	v11 =	vadd.s32 v7, v8  }
0x9b: {  	v8 =	vand.u32 $0x1FF, v11;
	[tilespmem:s3+$0x0] =	vst v11;
	v11 =	vshra.s32 v11, $0x9  }
0x9c: {  	(xrf1) =	vunique.msk.u32 $0xffff, v8  }
0x9d: {  	(xrf1) =	vunique.msk.u32 $0xffff, v11;
	_ =	sdelay $0x8  }
.Ltmp1:
0x9e: {  	(pc) =	sbr.rel @p1 .LBB2_5-.Ltmp1, $4  }
0x9f: {  	_ = 	snop  }
0xa0: {  	v14 =	vmov s22  }
0xa1: {  	v13 =	vmul.u32 $0x3, v14  }
0xa2: {  	s22 =	sadd.s32 $0x10, s22;
	_, v12, vm0 =	vpop (xrf1)  }
0xa3: {  	v13 =	vbroadcast v13, $0x0;
	v9 =	vmul.u32 $0x2710, v9;
	v10 =	vmul.u32 $0x64, v10;
	_, v14, vm1 =	vpop (xrf1);
	_ =	sdelay $0x1  }
0xa4: {  	v15 =	vadd.s32 v3, v13;
	v9 =	vadd.s32 v9, v10  }
0xa5: {  	s9 =	sadd.s32 $0x10, s19;
	v57 =	vadd.s32 v1, v13;
	v7 =	vadd.s32 v7, v9  }
0xa6: {  	v58 =	vadd.s32 v4, v13;
	[tilespmem:s9+$0x0] =	vst v7  }
0xa7: {  	[tilespmem:v8+s13+$0x0] =	vst.idx.add.s32.msk vm0, v12  }
0xa8: {  	[tilespmem:v11+s14+$0x0] =	vst.idx.add.s32.msk vm1, v14  }
0xa9: {  	v7 =	vld.idx.msk [tilespmem:v15+s4+$0x0], $0xffff  }
0xaa: {  	v8 =	vld.idx.msk [tilespmem:v57+s4+$0x0], $0xffff  }
0xab: {  	v9 =	vld.idx.msk [tilespmem:v58+s4+$0x0], $0xffff;
	_ =	sdelay $0x3  }
0xac: {  	v8 =	vmul.f32 $6.300000000e+01, v8;
	v7 =	vmul.f32 $6.300000000e+01, v7  }
0xad: {  	v9 =	vmul.f32 $6.300000000e+01, v9  }
0xae: {  	v8 =	vtrunc.f32 v8;
	v7 =	vtrunc.f32 v7  }
0xaf: {  	v8 =	vcvt.f32.s32 v8;
	v7 =	vcvt.f32.s32 v7  }
0xb0: {  	v9 =	vtrunc.f32 v9  }
0xb1: {  	v9 =	vcvt.f32.s32 v9;
	v59 =	vshll.u32 v8, $0xC;
	v60 =	vshll.u32 v7, $0x6  }
0xb2: {  	v10 =	vadd.s32 v59, v60  }
0xb3: {  	v10 =	vadd.s32 v9, v10  }
0xb4: {  	v61 =	vand.u32 $0x1FF, v10  }
0xb5: {  	v62 =	vshra.s32 v10, $0x9;
	(xrf1) =	vunique.msk.u32 $0xffff, v61  }
0xb6: {  	(xrf1) =	vunique.msk.u32 $0xffff, v62;
	_ =	sdelay $0xc  }
0xb7: {  	_, v63, vm15 =	vpop (xrf1)  }
0xb8: {  	v8 =	vmul.u32 $0x2710, v8;
	v7 =	vmul.u32 $0x64, v7;
	_, v14, vm1 =	vpop (xrf1);
	_ =	sdelay $0x1  }
0xb9: {  	s3 =	sadd.s32 $0x10, s3;
	v7 =	vadd.s32 v8, v7  }
0xba: {  	s9 =	sadd.s32 $0x10, s9;
	[tilespmem:s3+$0x0] =	vst v10;
	v7 =	vadd.s32 v9, v7  }
0xbb: {  	[tilespmem:s9+$0x0] =	vst v7  }
0xbc: {  	s19 =	sshrl.u32 s11, $0x3;
	[tilespmem:v61+s13+$0x0] =	vst.idx.add.s32.msk vm15, v63  }
0xbd: {  	s22 =	sadd.s32 s25, s19;
	[tilespmem:v62+s14+$0x0] =	vst.idx.add.s32.msk vm1, v14  }
0xbe: {  	[hbm4b:s22+s4] =	stream.linear.scatter [tilespmem:s15], [sflag:$0x1], $0x800, $0x38;
	[tilespmem:$0x4980] =	vst v63  }
0xbf: {  	s10 =	sadd.s32 $0x1, s10;
	s3 =	sadd.s32 s16, s19  }
0xc0: {  	[hbm4b:s3+s4] =	stream.linear.scatter [tilespmem:s30], [sflag:$0x1], $0x800, $0x38;
	[tilespmem:$0x4980] =	vst v63  }
0xc1: {  	p1 =	sne.s32 s10, $0x30;
	_ =	swait.ge [sflag:s12], $0x800  }
.Ltmp2:
0xc2: {  	[sflag:s12] =	ssyncset.done $0x0;
	(pc) =	sbr.rel @p1 .LBB2_4-.Ltmp2, $4  }
0xc3: {  	[sflag:s12] =	ssyncadd.s32 $0xFFFFF800  }
0xc4: {  	_ =	swait.ge [sflag:s12], $0x800  }
0xc5: {  	[sflag:s12] =	ssyncset.done $0x0  }
0xc6: {  	[sflag:s12] =	ssyncadd.s32 $0xFFFFF800  }
0xc7: {  	s3 =	simm.s32 $0x0  }
0xc8: {  	v7 =	vmov s3  }
0xc9: {  	s10 =	sadd.s32 $0x18000, s0;
	v7 =	vmul.u32 $0x3, v7  }
0xca: {  	s9 =	smul.u32 $0x3, s10  }
0xcb: {  	v7 =	vbroadcast v7, $0x0  }
0xcc: {  	s9 =	sshrl.u32 s9, $0x3  }
0xcd: {  	s9 =	sadd.s32 s29, s9;
	v8 =	vadd.s32 v3, v7  }
0xce: {  	[tilespmem:s3], [sflag:$0x1] =	stream.linear.gather [hbm4b:s9+s3], $0x13E0, $0x38;
	v9 =	vadd.s32 v1, v7;
	[tilespmem:$0x4980] =	vst v63  }
0xcf: {  	_ =	swait.ge [sflag:s12], $0x13E0;
	v7 =	vadd.s32 v4, v7  }
0xd0: {  	[sflag:s12] =	ssyncset.done $0x0  }
0xd1: {  	[sflag:s12] =	ssyncadd.s32 $0xFFFFEC20  }
0xd2: {  	v8 =	vld.idx.msk [tilespmem:v8+s4+$0x0], $0xffff  }
0xd3: {  	v9 =	vld.idx.msk [tilespmem:v9+s4+$0x0], $0xffff  }
0xd4: {  	v7 =	vld.idx.msk [tilespmem:v7+s4+$0x0], $0xffff;
	_ =	sdelay $0x3  }
0xd5: {  	v9 =	vmul.f32 $6.300000000e+01, v9;
	v8 =	vmul.f32 $6.300000000e+01, v8  }
0xd6: {  	v7 =	vmul.f32 $6.300000000e+01, v7  }
0xd7: {  	v9 =	vtrunc.f32 v9;
	v8 =	vtrunc.f32 v8  }
0xd8: {  	v9 =	vcvt.f32.s32 v9;
	v8 =	vcvt.f32.s32 v8  }
0xd9: {  	v7 =	vtrunc.f32 v7  }
0xda: {  	v7 =	vcvt.f32.s32 v7;
	v10 =	vshll.u32 v9, $0xC;
	v11 =	vshll.u32 v8, $0x6  }
0xdb: {  	v10 =	vadd.s32 v10, v11  }
0xdc: {  	v10 =	vadd.s32 v7, v10  }
0xdd: {  	v11 =	vand.u32 $0x1FF, v10  }
0xde: {  	v12 =	vshra.s32 v10, $0x9;
	(xrf1) =	vunique.msk.u32 $0xffff, v11  }
0xdf: {  	(xrf1) =	vunique.msk.u32 $0xffff, v12;
	_ =	sdelay $0x9  }
0xe0: {  	s19 =	simm.s32 $0x10  }
0xe1: {  	v13 =	vmov s19  }
0xe2: {  	v13 =	vmul.u32 $0x3, v13  }
0xe3: {  	_, v14, vm0 =	vpop (xrf1)  }
0xe4: {  	v13 =	vbroadcast v13, $0x0;
	v9 =	vmul.u32 $0x2710, v9;
	v8 =	vmul.u32 $0x64, v8;
	_, v15, vm1 =	vpop (xrf1);
	_ =	sdelay $0x1  }
0xe5: {  	s22 =	simm.s32 $0x1800;
	v8 =	vadd.s32 v9, v8;
	v9 =	vadd.s32 v3, v13  }
0xe6: {  	s11 =	simm.s32 $0x2000;
	[tilespmem:s22+$0x0] =	vst v10;
	v10 =	vadd.s32 v1, v13;
	v7 =	vadd.s32 v7, v8  }
0xe7: {  	v8 =	vadd.s32 v4, v13;
	[tilespmem:s11+$0x0] =	vst v7  }
0xe8: {  	[tilespmem:v11+s13+$0x0] =	vst.idx.add.s32.msk vm0, v14  }
0xe9: {  	[tilespmem:v12+s14+$0x0] =	vst.idx.add.s32.msk vm1, v15  }
0xea: {  	v7 =	vld.idx.msk [tilespmem:v9+s4+$0x0], $0xffff  }
0xeb: {  	v9 =	vld.idx.msk [tilespmem:v10+s4+$0x0], $0xffff  }
0xec: {  	v8 =	vld.idx.msk [tilespmem:v8+s4+$0x0], $0xffff;
	_ =	sdelay $0x3  }
0xed: {  	v9 =	vmul.f32 $6.300000000e+01, v9;
	v7 =	vmul.f32 $6.300000000e+01, v7  }
0xee: {  	v8 =	vmul.f32 $6.300000000e+01, v8  }
0xef: {  	v9 =	vtrunc.f32 v9;
	v7 =	vtrunc.f32 v7  }
0xf0: {  	v9 =	vcvt.f32.s32 v9;
	v10 =	vcvt.f32.s32 v7  }
0xf1: {  	v7 =	vtrunc.f32 v8  }
0xf2: {  	v7 =	vcvt.f32.s32 v7;
	v8 =	vshll.u32 v9, $0xC;
	v11 =	vshll.u32 v10, $0x6  }
0xf3: {  	v8 =	vadd.s32 v8, v11  }
0xf4: {  	v12 =	vadd.s32 v7, v8  }
0xf5: {  	v8 =	vand.u32 $0x1FF, v12  }
0xf6: {  	v11 =	vshra.s32 v12, $0x9;
	(xrf1) =	vunique.msk.u32 $0xffff, v8  }
0xf7: {  	(xrf1) =	vunique.msk.u32 $0xffff, v11;
	_ =	sdelay $0x9  }
0xf8: {  	s29 =	simm.s32 $0x20  }
0xf9: {  	v13 =	vmov s29  }
0xfa: {  	s3 =	simm.s32 $0x1810;
	v13 =	vmul.u32 $0x3, v13  }
0xfb: {  	s19 =	simm.s32 $0x30;
	[tilespmem:s3+$0x0] =	vst v12;
	_, v12, vm0 =	vpop (xrf1)  }
.LBB2_8:
0xfc: {  	p1 =	sne.s32 s19, $0x690;
	v13 =	vbroadcast v13, $0x0;
	v9 =	vmul.u32 $0x2710, v9;
	v10 =	vmul.u32 $0x64, v10;
	_, v14, vm1 =	vpop (xrf1);
	_ =	sdelay $0x1  }
0xfd: {  	v15 =	vadd.s32 v3, v13;
	v9 =	vadd.s32 v9, v10  }
0xfe: {  	s11 =	sadd.s32 $0x10, s11;
	v10 =	vadd.s32 v1, v13;
	v7 =	vadd.s32 v7, v9  }
0xff: {  	v9 =	vadd.s32 v4, v13;
	[tilespmem:s11+$0x0] =	vst v7  }
0x100: {  	[tilespmem:v8+s13+$0x0] =	vst.idx.add.s32.msk vm0, v12  }
0x101: {  	[tilespmem:v11+s14+$0x0] =	vst.idx.add.s32.msk vm1, v14  }
0x102: {  	v7 =	vld.idx.msk [tilespmem:v15+s4+$0x0], $0xffff  }
0x103: {  	v8 =	vld.idx.msk [tilespmem:v10+s4+$0x0], $0xffff  }
0x104: {  	v9 =	vld.idx.msk [tilespmem:v9+s4+$0x0], $0xffff;
	_ =	sdelay $0x4  }
0x105: {  	v7 =	vmul.f32 $6.300000000e+01, v7;
	v8 =	vmul.f32 $6.300000000e+01, v8  }
0x106: {  	v11 =	vmul.f32 $6.300000000e+01, v9  }
0x107: {  	v7 =	vtrunc.f32 v7;
	v8 =	vtrunc.f32 v8  }
0x108: {  	v10 =	vcvt.f32.s32 v7;
	v9 =	vcvt.f32.s32 v8  }
0x109: {  	v7 =	vtrunc.f32 v11  }
0x10a: {  	v7 =	vcvt.f32.s32 v7;
	v11 =	vshll.u32 v10, $0x6;
	v8 =	vshll.u32 v9, $0xC  }
0x10b: {  	v8 =	vadd.s32 v8, v11  }
0x10c: {  	s3 =	sadd.s32 $0x10, s3;
	v11 =	vadd.s32 v7, v8  }
0x10d: {  	v8 =	vand.u32 $0x1FF, v11;
	[tilespmem:s3+$0x0] =	vst v11;
	v11 =	vshra.s32 v11, $0x9  }
0x10e: {  	(xrf1) =	vunique.msk.u32 $0xffff, v8  }
0x10f: {  	(xrf1) =	vunique.msk.u32 $0xffff, v11;
	_ =	sdelay $0x8  }
.Ltmp3:
0x110: {  	(pc) =	sbr.rel @p1 .LBB2_8-.Ltmp3, $4  }
0x111: {  	_ = 	snop  }
0x112: {  	v14 =	vmov s19  }
0x113: {  	v13 =	vmul.u32 $0x3, v14  }
0x114: {  	s19 =	sadd.s32 $0x10, s19;
	_, v12, vm0 =	vpop (xrf1)  }
0x115: {  	v13 =	vbroadcast v13, $0x0;
	v9 =	vmul.u32 $0x2710, v9;
	v10 =	vmul.u32 $0x64, v10;
	_, v14, vm1 =	vpop (xrf1);
	_ =	sdelay $0x1  }
0x116: {  	v15 =	vadd.s32 v3, v13;
	v9 =	vadd.s32 v9, v10  }
0x117: {  	s9 =	sadd.s32 $0x10, s11;
	v10 =	vadd.s32 v1, v13;
	v7 =	vadd.s32 v7, v9  }
0x118: {  	v9 =	vadd.s32 v4, v13;
	[tilespmem:s9+$0x0] =	vst v7  }
0x119: {  	[tilespmem:v8+s13+$0x0] =	vst.idx.add.s32.msk vm0, v12  }
0x11a: {  	[tilespmem:v11+s14+$0x0] =	vst.idx.add.s32.msk vm1, v14  }
0x11b: {  	v7 =	vld.idx.msk [tilespmem:v15+s4+$0x0], $0xffff  }
0x11c: {  	v8 =	vld.idx.msk [tilespmem:v10+s4+$0x0], $0xffff  }
0x11d: {  	v9 =	vld.idx.msk [tilespmem:v9+s4+$0x0], $0xffff;
	_ =	sdelay $0x3  }
0x11e: {  	v8 =	vmul.f32 $6.300000000e+01, v8;
	v7 =	vmul.f32 $6.300000000e+01, v7  }
0x11f: {  	v9 =	vmul.f32 $6.300000000e+01, v9  }
0x120: {  	v8 =	vtrunc.f32 v8;
	v7 =	vtrunc.f32 v7  }
0x121: {  	v8 =	vcvt.f32.s32 v8;
	v7 =	vcvt.f32.s32 v7  }
0x122: {  	v9 =	vtrunc.f32 v9  }
0x123: {  	v9 =	vcvt.f32.s32 v9;
	v10 =	vshll.u32 v8, $0xC;
	v11 =	vshll.u32 v7, $0x6  }
0x124: {  	v10 =	vadd.s32 v10, v11  }
0x125: {  	v10 =	vadd.s32 v9, v10  }
0x126: {  	v11 =	vand.u32 $0x1FF, v10  }
0x127: {  	v12 =	vshra.s32 v10, $0x9;
	(xrf1) =	vunique.msk.u32 $0xffff, v11  }
0x128: {  	(xrf1) =	vunique.msk.u32 $0xffff, v12;
	_ =	sdelay $0xc  }
0x129: {  	_, v13, vm15 =	vpop (xrf1)  }
0x12a: {  	v8 =	vmul.u32 $0x2710, v8;
	v7 =	vmul.u32 $0x64, v7;
	_, v14, vm1 =	vpop (xrf1);
	_ =	sdelay $0x1  }
0x12b: {  	s3 =	sadd.s32 $0x10, s3;
	v7 =	vadd.s32 v8, v7  }
0x12c: {  	s11 =	sadd.s32 $0x10, s9;
	[tilespmem:s3+$0x0] =	vst v10;
	v7 =	vadd.s32 v9, v7  }
0x12d: {  	[tilespmem:s11+$0x0] =	vst v7  }
0x12e: {  	s5 =	sshrl.u32 s10, $0x3;
	[tilespmem:v11+s13+$0x0] =	vst.idx.add.s32.msk vm15, v13  }
0x12f: {  	s22 =	simm.s32 $0x0;
	s19 =	sadd.s32 s25, s5;
	[dreg:$0xb] =	wrdreg s5;
	[tilespmem:v12+s14+$0x0] =	vst.idx.add.s32.msk vm1, v14  }
0x130: {  	[hbm4b:s19+s22] =	stream.linear.scatter [tilespmem:s15], [sflag:$0x1], $0x6A0, $0x38;
	[tilespmem:$0x4980] =	vst v63  }
0x131: {  	s25 =	sadd.s32 s16, s5;
	[dreg:$0xc] =	wrdreg s19  }
0x132: {  	[hbm4b:s25+s22] =	stream.linear.scatter [tilespmem:s30], [sflag:$0x1], $0x6A0, $0x38;
	[tilespmem:$0x4980] =	vst v63  }
0x133: {  	_ =	swait.ge [sflag:s12], $0x6A0  }
0x134: {  	[sflag:s12] =	ssyncset.done $0x0  }
0x135: {  	[sflag:s12] =	ssyncadd.s32 $0xFFFFF960  }
0x136: {  	_ =	swait.ge [sflag:s12], $0x6A0  }
0x137: {  	[sflag:s12] =	ssyncset.done $0x0  }
0x138: {  	s19 =	simm.s32 $0x0;
	[sflag:s12] =	ssyncadd.s32 $0xFFFFF960  }
0x139: {  	s10 =	simm.s32 $0x10;
	v8 =	vld [tilespmem:s19+$0x4180]  }
0x13a: {  	v7 =	vld [tilespmem:s10+$0x4180];
	_ =	sdelay $0x3  }
0x13b: {  	(xrf0) =	vadd.scan.msk.s32 $0xffff, v8  }
0x13c: {  	(xrf0) =	vadd.scan.msk.s32 $0xffff, v7;
	_ =	sdelay $0x4  }
0x13d: {  	s11 =	simm.s32 $0x20;
	v12, _, _ =	vpop (xrf0)  }
0x13e: {  	v10 =	vld [tilespmem:s11+$0x4180];
	(v2sf) =	vpush v12, $0xF;
	v11, _, _ =	vpop (xrf0)  }
0x13f: {  	(v2sf) =	vpush v11, $0xF;
	_ =	sdelay $0x3  }
0x140: {  	s3 =	simm.s32 $0x30;
	(xrf0) =	vadd.scan.msk.s32 $0xffff, v10  }
0x141: {  	v9 =	vld [tilespmem:s3+$0x4180];
	_ =	sdelay $0x2  }
0x142: {  	s29 =	simm.s32 $0x10;
	s16 =	simm.s32 $0x30;
	s9 =	simm.s32 $0x100  }
0x143: {  	s25 =	simm.s32 $0x0;
	s30 =	smov.u32 s0;
	s22 =	simm.s32 $0x20  }
.LBB2_10:
0x144: {  	s5 =	sshra.s32 s9, $0x2;
	p1 =	sne.s32 s9, $0x7C0;
	s9 =	sadd.s32 $0x40, s9;
	(xrf0) =	vadd.scan.msk.s32 $0xffff, v9;
	v13, _, _ =	vpop (xrf0);
	v14 =	vsub.s32 s30, v8;
	v8 =	vmov v7;
	v7 =	vmov v10  }
.Ltmp4:
0x145: {  	v10 =	vmovc v9;
	(v2sf) =	vpush v13, $0xF;
	v14 =	vadd.s32 v12, v14;
	v12 =	vmovc v11;
	v11 =	vmov v13;
	v9 =	vld [tilespmem:s5+$0x4180];
	(pc) =	sbr.rel @p1 .LBB2_10-.Ltmp4, $4  }
0x146: {  	[tilespmem:s25+$0x4580] =	vst v14;
	s25 =	smov.u32 s29;
	s29 =	smov.u32 s22;
	s22 =	smov.u32 s16  }
0x147: {  	s16 =	smov.u32 s5  }
0x148: {  	s5 =	spop (v2sf)  }
0x149: {  	s30 =	sadd.s32 s30, s5  }
0x14a: {  	v13, _, _ =	vpop (xrf0)  }
0x14b: {  	(v2sf) =	vpush v13, $0xF;
	_ =	sdelay $0xa  }
0x14c: {  	(xrf0) =	vadd.scan.msk.s32 $0xffff, v9;
	_ =	sdelay $0x1  }
0x14d: {  	s5 =	spop (v2sf)  }
0x14e: {  	v8 =	vsub.s32 s30, v8;
	s5 =	sadd.s32 s30, s5;
	s9 =	spop (v2sf)  }
0x14f: {  	v8 =	vadd.s32 v12, v8;
	v7 =	vsub.s32 s5, v7;
	s5 =	sadd.s32 s5, s9;
	s30 =	spop (v2sf)  }
0x150: {  	[tilespmem:s25+$0x4580] =	vst v8;
	v7 =	vadd.s32 v11, v7;
	v8 =	vsub.s32 s5, v10;
	s5 =	sadd.s32 s5, s30  }
0x151: {  	[tilespmem:s29+$0x4580] =	vst v7;
	v10, _, _ =	vpop (xrf0);
	v7 =	vadd.s32 v13, v8;
	v8 =	vsub.s32 s5, v9  }
0x152: {  	(v2sf) =	vpush v10, $0xF;
	[tilespmem:s22+$0x4580] =	vst v7;
	v7 =	vadd.s32 v10, v8  }
0x153: {  	[tilespmem:s16+$0x4580] =	vst v7  }
0x154: {  	v10 =	vld [tilespmem:s19+$0x4380]  }
0x155: {  	v7 =	vld [tilespmem:s10+$0x4380];
	_ =	sdelay $0x3  }
0x156: {  	(xrf0) =	vadd.scan.msk.s32 $0xffff, v10  }
0x157: {  	(xrf0) =	vadd.scan.msk.s32 $0xffff, v7;
	_ =	sdelay $0x4  }
0x158: {  	v12, _, _ =	vpop (xrf0)  }
0x159: {  	v11 =	vld [tilespmem:s11+$0x4380];
	(v2sf) =	vpush v12, $0xF;
	v9, _, _ =	vpop (xrf0)  }
0x15a: {  	s30 =	spop (v2sf);
	(v2sf) =	vpush v9, $0xF;
	_ =	sdelay $0x3  }
0x15b: {  	(xrf0) =	vadd.scan.msk.s32 $0xffff, v11  }
0x15c: {  	v8 =	vld [tilespmem:s3+$0x4380];
	_ =	sdelay $0x3  }
0x15d: {  	s9 =	smov.u32 s0;
	s16 =	simm.s32 $0x100  }
.LBB2_12:
0x15e: {  	s5 =	sshra.s32 s16, $0x2;
	p1 =	sne.s32 s16, $0x7C0;
	s16 =	sadd.s32 $0x40, s16;
	(xrf0) =	vadd.scan.msk.s32 $0xffff, v8;
	v13, _, _ =	vpop (xrf0);
	v14 =	vsub.s32 s9, v10;
	v10 =	vmov v7;
	v7 =	vmov v11  }
.Ltmp5:
0x15f: {  	v11 =	vmovc v8;
	(v2sf) =	vpush v13, $0xF;
	v14 =	vadd.s32 v12, v14;
	v12 =	vmovc v9;
	v9 =	vmov v13;
	v8 =	vld [tilespmem:s5+$0x4380];
	(pc) =	sbr.rel @p1 .LBB2_12-.Ltmp5, $4  }
0x160: {  	[tilespmem:s19+$0x4780] =	vst v14;
	s19 =	smov.u32 s10;
	s10 =	smov.u32 s11;
	s11 =	smov.u32 s3  }
0x161: {  	s3 =	smov.u32 s5  }
0x162: {  	s5 =	spop (v2sf)  }
0x163: {  	s9 =	sadd.s32 s9, s5  }
0x164: {  	(xrf0) =	vadd.scan.msk.s32 $0xffff, v8;
	_ =	sdelay $0x2  }
0x165: {  	v13, _, _ =	vpop (xrf0)  }
0x166: {  	(v2sf) =	vpush v13, $0xF;
	_ =	sdelay $0x1  }
0x167: {  	v14, _, _ =	vpop (xrf0)  }
0x168: {  	(v2sf) =	vpush v14, $0xF;
	_ =	sdelay $0x9  }
0x169: {  	s5 =	spop (v2sf)  }
0x16a: {  	v10 =	vsub.s32 s9, v10;
	s5 =	sadd.s32 s9, s5;
	s16 =	spop (v2sf)  }
0x16b: {  	v10 =	vadd.s32 v12, v10;
	v7 =	vsub.s32 s5, v7;
	s5 =	sadd.s32 s5, s16;
	s22 =	spop (v2sf)  }
0x16c: {  	[tilespmem:s19+$0x4780] =	vst v10;
	v7 =	vadd.s32 v9, v7;
	v63 =	vsub.s32 s5, v11;
	s5 =	sadd.s32 s5, s22  }
0x16d: {  	s29 =	rddreg [dreg:$0x5];
	[tilespmem:s10+$0x4780] =	vst v7;
	v7 =	vadd.s32 v13, v63;
	v8 =	vsub.s32 s5, v8  }
0x16e: {  	s30 =	simm.s32 $0x2000;
	s10 =	simm.s32 $0x0;
	[tilespmem:s11+$0x4780] =	vst v7;
	v7 =	vadd.s32 v14, v8;
	s25 =	spop (v2sf)  }
0x16f: {  	s11 =	simm.s32 $0x0;
	[tilespmem:s3+$0x4780] =	vst v7;
	s3 =	simm.s32 $0x0;
	s25 =	rddreg [dreg:$0x3]  }
.LBB2_14:
0x170: {  	s5 =	sshll.u32 s11, $0xB  }
0x171: {  	s5 =	sadd.s32 s0, s5  }
0x172: {  	s5 =	sshrl.u32 s5, $0x3  }
0x173: {  	s5 =	sadd.s32 s25, s5  }
0x174: {  	[tilespmem:s15], [sflag:$0x1] =	stream.linear.gather [hbm4b:s5+s3], $0x800, $0x38;
	[tilespmem:$0x4980] =	vst v63  }
0x175: {  	_ =	swait.ge [sflag:s12], $0x800  }
0x176: {  	[sflag:s12] =	ssyncset.done $0x0  }
0x177: {  	s19 =	simm.s32 $0x0;
	[sflag:s12] =	ssyncadd.s32 $0xFFFFF800  }
0x178: {  	v7 =	vld [tilespmem:s19+$0x1800];
	_ =	sdelay $0x4  }
0x179: {  	v8 =	vand.u32 $0x1FF, v7  }
0x17a: {  	(xrf1) =	vunique.msk.u32 $0xffff, v8;
	_ =	sdelay $0xd  }
0x17b: {  	v10 =	vld.idx.msk [tilespmem:v8+s17+$0x0], $0xffff;
	_, v9, vm0 =	vpop (xrf1);
	_ =	sdelay $0x4  }
0x17c: {  	v10 =	vadd.s32 v9, v10  }
0x17d: {  	s9 =	simm.s32 $0x10;
	[tilespmem:v8+s17+$0x0] =	vst.idx.add.s32.msk vm0, v9;
	v9 =	vadd.s32 $0xFFFFFFFF, v10  }
0x17e: {  	s16 =	simm.s32 $0x80;
	s22 =	smov.u32 s10;
	v8 =	vld [tilespmem:s9+$0x1800];
	[tilespmem:s19+$0x2800] =	vst v9  }
.LBB2_15:
0x17f: {  	p1 =	sne.s32 s16, $0x1FC0;
	v9 =	vor.u32 s22, v0;
	[tilespmem:s19+$0x3000] =	vst v7  }
0x180: {  	[tilespmem:s19+$0x3800] =	vst v9;
	s19 =	smov.u32 s9;
	_ =	sdelay $0x2  }
0x181: {  	v9 =	vand.u32 $0x1FF, v8;
	v7 =	vmov v8  }
0x182: {  	(xrf1) =	vunique.msk.u32 $0xffff, v9;
	_ =	sdelay $0xc  }
0x183: {  	v8 =	vld.idx.msk [tilespmem:v9+s17+$0x0], $0xffff  }
0x184: {  	_, v10, vm0 =	vpop (xrf1);
	_ =	sdelay $0x2  }
.Ltmp6:
0x185: {  	(pc) =	sbr.rel @p1 .LBB2_15-.Ltmp6, $4  }
0x186: {  	_ = 	snop  }
0x187: {  	v8 =	vadd.s32 v10, v8  }
0x188: {  	s9 =	sshra.s32 s16, $0x2;
	v11 =	vadd.s32 $0xFFFFFFFF, v8;
	[tilespmem:v9+s17+$0x0] =	vst.idx.add.s32.msk vm0, v10  }
0x189: {  	s22 =	sadd.s32 $0x10, s22;
	s16 =	sadd.s32 $0x40, s16;
	v8 =	vld [tilespmem:s9+$0x1800];
	[tilespmem:s19+$0x2800] =	vst v11  }
0x18a: {  	_ =	sdelay $0x3  }
0x18b: {  	v9 =	vand.u32 $0x1FF, v8  }
0x18c: {  	(xrf1) =	vunique.msk.u32 $0xffff, v9;
	_ =	sdelay $0xb  }
0x18d: {  	v10 =	vor.u32 s22, v0;
	[tilespmem:s19+$0x3000] =	vst v7  }
0x18e: {  	[tilespmem:s19+$0x3800] =	vst v10  }
0x18f: {  	v7 =	vld.idx.msk [tilespmem:v9+s17+$0x0], $0xffff;
	_, v63, vm0 =	vpop (xrf1);
	_ =	sdelay $0x4  }
0x190: {  	v7 =	vadd.s32 v63, v7  }
0x191: {  	v7 =	vadd.s32 $0xFFFFFFFF, v7;
	[tilespmem:v9+s17+$0x0] =	vst.idx.add.s32.msk vm0, v63  }
0x192: {  	s5 =	sadd.s32 $0x10, s22;
	[tilespmem:s9+$0x2800] =	vst v7  }
0x193: {  	v7 =	vor.u32 s5, v0;
	[tilespmem:s9+$0x3000] =	vst v8  }
0x194: {  	s16 =	simm.s32 $0x2800;
	s19 =	simm.s32 $0x3000;
	[tilespmem:s9+$0x3800] =	vst v7  }
0x195: {  	[hbm4b:s7+s18] =	stream.indirect.scatter [tilespmem:s19], [sflag:$0x1], $0x1, s16, s18, $0xb8;
	[tilespmem:$0x4980] =	vst v63  }
0x196: {  	s22 =	simm.s32 $0x3800  }
0x197: {  	[hbm4b:s8+s18] =	stream.indirect.scatter [tilespmem:s22], [sflag:$0x1], $0x1, s16, s18, $0xb8;
	[tilespmem:$0x4980] =	vst v63  }
0x198: {  	s19 =	simm.s32 $0x3080;
	s16 =	simm.s32 $0x2880  }
0x199: {  	[hbm4b:s7+s18] =	stream.indirect.scatter [tilespmem:s19], [sflag:$0x1], $0x1, s16, s18, $0xb8;
	[tilespmem:$0x4980] =	vst v63  }
0x19a: {  	s22 =	simm.s32 $0x3880  }
0x19b: {  	[hbm4b:s8+s18] =	stream.indirect.scatter [tilespmem:s22], [sflag:$0x1], $0x1, s16, s18, $0xb8;
	[tilespmem:$0x4980] =	vst v63  }
0x19c: {  	s19 =	simm.s32 $0x3100;
	s16 =	simm.s32 $0x2900  }
0x19d: {  	[hbm4b:s7+s18] =	stream.indirect.scatter [tilespmem:s19], [sflag:$0x1], $0x1, s16, s18, $0xb8;
	[tilespmem:$0x4980] =	vst v63  }
0x19e: {  	s22 =	simm.s32 $0x3900  }
0x19f: {  	[hbm4b:s8+s18] =	stream.indirect.scatter [tilespmem:s22], [sflag:$0x1], $0x1, s16, s18, $0xb8;
	[tilespmem:$0x4980] =	vst v63  }
0x1a0: {  	s19 =	simm.s32 $0x3180;
	s16 =	simm.s32 $0x2980  }
0x1a1: {  	[hbm4b:s7+s18] =	stream.indirect.scatter [tilespmem:s19], [sflag:$0x1], $0x1, s16, s18, $0xb8;
	[tilespmem:$0x4980] =	vst v63  }
0x1a2: {  	s22 =	simm.s32 $0x3980  }
0x1a3: {  	[hbm4b:s8+s18] =	stream.indirect.scatter [tilespmem:s22], [sflag:$0x1], $0x1, s16, s18, $0xb8;
	[tilespmem:$0x4980] =	vst v63  }
0x1a4: {  	s19 =	simm.s32 $0x3200;
	s16 =	simm.s32 $0x2A00  }
0x1a5: {  	[hbm4b:s7+s18] =	stream.indirect.scatter [tilespmem:s19], [sflag:$0x1], $0x1, s16, s18, $0xb8;
	[tilespmem:$0x4980] =	vst v63  }
0x1a6: {  	s22 =	simm.s32 $0x3A00  }
0x1a7: {  	[hbm4b:s8+s18] =	stream.indirect.scatter [tilespmem:s22], [sflag:$0x1], $0x1, s16, s18, $0xb8;
	[tilespmem:$0x4980] =	vst v63  }
0x1a8: {  	s19 =	simm.s32 $0x3280;
	s16 =	simm.s32 $0x2A80  }
0x1a9: {  	[hbm4b:s7+s18] =	stream.indirect.scatter [tilespmem:s19], [sflag:$0x1], $0x1, s16, s18, $0xb8;
	[tilespmem:$0x4980] =	vst v63  }
0x1aa: {  	s22 =	simm.s32 $0x3A80  }
0x1ab: {  	[hbm4b:s8+s18] =	stream.indirect.scatter [tilespmem:s22], [sflag:$0x1], $0x1, s16, s18, $0xb8;
	[tilespmem:$0x4980] =	vst v63  }
0x1ac: {  	s19 =	simm.s32 $0x3300;
	s16 =	simm.s32 $0x2B00  }
0x1ad: {  	[hbm4b:s7+s18] =	stream.indirect.scatter [tilespmem:s19], [sflag:$0x1], $0x1, s16, s18, $0xb8;
	[tilespmem:$0x4980] =	vst v63  }
0x1ae: {  	s22 =	simm.s32 $0x3B00  }
0x1af: {  	[hbm4b:s8+s18] =	stream.indirect.scatter [tilespmem:s22], [sflag:$0x1], $0x1, s16, s18, $0xb8;
	[tilespmem:$0x4980] =	vst v63  }
0x1b0: {  	s16 =	simm.s32 $0x3380  }
0x1b1: {  	[hbm4b:s7+s18] =	stream.indirect.scatter [tilespmem:s16], [sflag:$0x1], $0x1, s21, s18, $0xb8;
	[tilespmem:$0x4980] =	vst v63  }
0x1b2: {  	s19 =	simm.s32 $0x3B80  }
0x1b3: {  	[hbm4b:s8+s18] =	stream.indirect.scatter [tilespmem:s19], [sflag:$0x1], $0x1, s21, s18, $0xb8;
	[tilespmem:$0x4980] =	vst v63  }
0x1b4: {  	s22 =	simm.s32 $0x3400  }
0x1b5: {  	[hbm4b:s7+s18] =	stream.indirect.scatter [tilespmem:s22], [sflag:$0x1], $0x1, s26, s18, $0xb8;
	[tilespmem:$0x4980] =	vst v63  }
0x1b6: {  	s9 =	simm.s32 $0x3C00  }
0x1b7: {  	[hbm4b:s8+s18] =	stream.indirect.scatter [tilespmem:s9], [sflag:$0x1], $0x1, s26, s18, $0xb8;
	[tilespmem:$0x4980] =	vst v63  }
0x1b8: {  	s16 =	simm.s32 $0x3480  }
0x1b9: {  	[hbm4b:s7+s18] =	stream.indirect.scatter [tilespmem:s16], [sflag:$0x1], $0x1, s31, s18, $0xb8;
	[tilespmem:$0x4980] =	vst v63  }
0x1ba: {  	s19 =	simm.s32 $0x3C80  }
0x1bb: {  	[hbm4b:s8+s18] =	stream.indirect.scatter [tilespmem:s19], [sflag:$0x1], $0x1, s31, s18, $0xb8;
	[tilespmem:$0x4980] =	vst v63  }
0x1bc: {  	s22 =	simm.s32 $0x3500  }
0x1bd: {  	[hbm4b:s7+s18] =	stream.indirect.scatter [tilespmem:s22], [sflag:$0x1], $0x1, s1, s18, $0xb8;
	[tilespmem:$0x4980] =	vst v63  }
0x1be: {  	s9 =	simm.s32 $0x3D00  }
0x1bf: {  	[hbm4b:s8+s18] =	stream.indirect.scatter [tilespmem:s9], [sflag:$0x1], $0x1, s1, s18, $0xb8;
	[tilespmem:$0x4980] =	vst v63  }
0x1c0: {  	s16 =	simm.s32 $0x3580  }
0x1c1: {  	[hbm4b:s7+s18] =	stream.indirect.scatter [tilespmem:s16], [sflag:$0x1], $0x1, s20, s18, $0xb8;
	[tilespmem:$0x4980] =	vst v63  }
0x1c2: {  	s19 =	simm.s32 $0x3D80  }
0x1c3: {  	[hbm4b:s8+s18] =	stream.indirect.scatter [tilespmem:s19], [sflag:$0x1], $0x1, s20, s18, $0xb8;
	[tilespmem:$0x4980] =	vst v63  }
0x1c4: {  	s22 =	simm.s32 $0x3600  }
0x1c5: {  	[hbm4b:s7+s18] =	stream.indirect.scatter [tilespmem:s22], [sflag:$0x1], $0x1, s28, s18, $0xb8;
	[tilespmem:$0x4980] =	vst v63  }
0x1c6: {  	s9 =	simm.s32 $0x3E00  }
0x1c7: {  	[hbm4b:s8+s18] =	stream.indirect.scatter [tilespmem:s9], [sflag:$0x1], $0x1, s28, s18, $0xb8;
	[tilespmem:$0x4980] =	vst v63  }
0x1c8: {  	s16 =	simm.s32 $0x2E80;
	s19 =	simm.s32 $0x3680  }
0x1c9: {  	[hbm4b:s7+s18] =	stream.indirect.scatter [tilespmem:s19], [sflag:$0x1], $0x1, s16, s18, $0xb8;
	[tilespmem:$0x4980] =	vst v63  }
0x1ca: {  	s22 =	simm.s32 $0x3E80  }
0x1cb: {  	[hbm4b:s8+s18] =	stream.indirect.scatter [tilespmem:s22], [sflag:$0x1], $0x1, s16, s18, $0xb8;
	[tilespmem:$0x4980] =	vst v63  }
0x1cc: {  	s19 =	simm.s32 $0x3700;
	s16 =	simm.s32 $0x2F00  }
0x1cd: {  	[hbm4b:s7+s18] =	stream.indirect.scatter [tilespmem:s19], [sflag:$0x1], $0x1, s16, s18, $0xb8;
	[tilespmem:$0x4980] =	vst v63  }
0x1ce: {  	s22 =	simm.s32 $0x3F00  }
0x1cf: {  	[hbm4b:s8+s18] =	stream.indirect.scatter [tilespmem:s22], [sflag:$0x1], $0x1, s16, s18, $0xb8;
	[tilespmem:$0x4980] =	vst v63  }
0x1d0: {  	s19 =	simm.s32 $0x3780;
	s16 =	simm.s32 $0x2F80  }
0x1d1: {  	[hbm4b:s7+s18] =	stream.indirect.scatter [tilespmem:s19], [sflag:$0x1], $0x1, s16, s18, $0xb8;
	[tilespmem:$0x4980] =	vst v63  }
0x1d2: {  	s11 =	sadd.s32 $0x1, s11;
	s22 =	simm.s32 $0x3F80  }
0x1d3: {  	[hbm4b:s8+s18] =	stream.indirect.scatter [tilespmem:s22], [sflag:$0x1], $0x1, s16, s18, $0xb8;
	[tilespmem:$0x4980] =	vst v63  }
0x1d4: {  	p1 =	sne.s32 s11, $0x30;
	_ =	swait.ge [sflag:s12], $0x800  }
.Ltmp7:
0x1d5: {  	[sflag:s12] =	ssyncset.done $0x0;
	(pc) =	sbr.rel @p1 .LBB2_14-.Ltmp7, $4  }
0x1d6: {  	[sflag:s12] =	ssyncadd.s32 $0xFFFFF800  }
0x1d7: {  	_ =	swait.ge [sflag:s12], $0x800  }
0x1d8: {  	[sflag:s12] =	ssyncset.done $0x0  }
0x1d9: {  	s10 =	sadd.s32 $0x800, s10;
	[sflag:s12] =	ssyncadd.s32 $0xFFFFF800  }
0x1da: {  	s3 =	simm.s32 $0x1800;
	s5 =	rddreg [dreg:$0xc]  }
0x1db: {  	[tilespmem:s3], [sflag:$0x1] =	stream.linear.gather [hbm4b:s5+s4], $0x6A0, $0x38;
	[tilespmem:$0x4980] =	vst v63  }
0x1dc: {  	_ =	swait.ge [sflag:s12], $0x6A0  }
0x1dd: {  	[sflag:s12] =	ssyncset.done $0x0  }
0x1de: {  	[sflag:s12] =	ssyncadd.s32 $0xFFFFF960  }
0x1df: {  	v7 =	vld [tilespmem:s3+$0x0];
	_ =	sdelay $0x4  }
0x1e0: {  	v8 =	vand.u32 $0x1FF, v7  }
0x1e1: {  	(xrf1) =	vunique.msk.u32 $0xffff, v8;
	_ =	sdelay $0xd  }
0x1e2: {  	v9 =	vld.idx.msk [tilespmem:v8+s17+$0x0], $0xffff;
	_, v10, vm0 =	vpop (xrf1);
	_ =	sdelay $0x4  }
0x1e3: {  	v9 =	vadd.s32 v10, v9  }
0x1e4: {  	s3 =	simm.s32 $0x2800;
	v9 =	vadd.s32 $0xFFFFFFFF, v9;
	[tilespmem:v8+s17+$0x0] =	vst.idx.add.s32.msk vm0, v10  }
0x1e5: {  	s22 =	simm.s32 $0x18000;
	s11 =	simm.s32 $0x3000;
	[tilespmem:s3+$0x0] =	vst v9  }
0x1e6: {  	s10 =	simm.s32 $0x3800;
	v8 =	vor.u32 s22, v0;
	[tilespmem:s11+$0x0] =	vst v7  }
0x1e7: {  	s22 =	simm.s32 $0x1810;
	[tilespmem:s10+$0x0] =	vst v8  }
0x1e8: {  	v7 =	vld [tilespmem:s22+$0x0];
	_ =	sdelay $0x2  }
0x1e9: {  	s19 =	simm.s32 $0x18010;
	s16 =	simm.s32 $0x18020  }
.LBB2_18:
0x1ea: {  	p1 =	sne.s32 s16, $0x18670  }
0x1eb: {  	v8 =	vand.u32 $0x1FF, v7  }
0x1ec: {  	(xrf1) =	vunique.msk.u32 $0xffff, v8;
	_ =	sdelay $0xc  }
0x1ed: {  	v9 =	vld.idx.msk [tilespmem:v8+s17+$0x0], $0xffff  }
0x1ee: {  	_, v10, vm0 =	vpop (xrf1);
	_ =	sdelay $0x4  }
0x1ef: {  	v9 =	vadd.s32 v10, v9  }
0x1f0: {  	s3 =	sadd.s32 $0x10, s3;
	v9 =	vadd.s32 $0xFFFFFFFF, v9;
	[tilespmem:v8+s17+$0x0] =	vst.idx.add.s32.msk vm0, v10  }
0x1f1: {  	s11 =	sadd.s32 $0x10, s11;
	[tilespmem:s3+$0x0] =	vst v9  }
0x1f2: {  	s10 =	sadd.s32 $0x10, s10;
	v8 =	vor.u32 s19, v0;
	s19 =	smov.u32 s16;
	[tilespmem:s11+$0x0] =	vst v7  }
.Ltmp8:
0x1f3: {  	s22 =	sadd.s32 $0x10, s22;
	[tilespmem:s10+$0x0] =	vst v8;
	(pc) =	sbr.rel @p1 .LBB2_18-.Ltmp8, $2  }
0x1f4: {  	v7 =	vld [tilespmem:s22+$0x0];
	_ =	sdelay $0x2  }
0x1f5: {  	s16 =	sadd.s32 $0x10, s16  }
0x1f6: {  	_ = 	snop  }
0x1f7: {  	v8 =	vand.u32 $0x1FF, v7  }
0x1f8: {  	(xrf1) =	vunique.msk.u32 $0xffff, v8;
	_ =	sdelay $0xd  }
0x1f9: {  	v9 =	vld.idx.msk [tilespmem:v8+s17+$0x0], $0xffff;
	_, v10, vm0 =	vpop (xrf1);
	_ =	sdelay $0x4  }
0x1fa: {  	v9 =	vadd.s32 v10, v9  }
0x1fb: {  	s3 =	sadd.s32 $0x10, s3;
	v9 =	vadd.s32 $0xFFFFFFFF, v9;
	[tilespmem:v8+s17+$0x0] =	vst.idx.add.s32.msk vm0, v10  }
0x1fc: {  	s22 =	sadd.s32 $0x10, s11;
	[tilespmem:s3+$0x0] =	vst v9  }
0x1fd: {  	s5 =	sadd.s32 $0x10, s10;
	v8 =	vor.u32 s19, v0;
	[tilespmem:s22+$0x0] =	vst v7  }
0x1fe: {  	[tilespmem:s5+$0x0] =	vst v8  }
0x1ff: {  	v7 =	vld [tilespmem:$0x1E80];
	_ =	sdelay $0x4  }
0x200: {  	v8 =	vand.u32 $0x1FF, v7  }
0x201: {  	(xrf1) =	vunique.msk.u32 $0xffff, v8;
	_ =	sdelay $0xd  }
0x202: {  	_, v63, vm14 =	vpop (xrf1);
	_ =	sdelay $0x4  }
0x203: {  	v10 =	vld.idx.msk [tilespmem:v8+s17+$0x0], $0xffff  }
0x204: {  	[tilespmem:v8+s17+$0x0] =	vst.idx.add.s32.msk vm14, v63  }
0x205: {  	v8 =	vld [tilespmem:$0x1E90];
	_ =	sdelay $0x4  }
0x206: {  	v11 =	vand.u32 $0x1FF, v8  }
0x207: {  	(xrf1) =	vunique.msk.u32 $0xffff, v11;
	_ =	sdelay $0x8  }
0x208: {  	v9 =	vadd.s32 v63, v10  }
0x209: {  	v9 =	vadd.s32 $0xFFFFFFFF, v9  }
0x20a: {  	[tilespmem:$0x4000] =	vst v9  }
0x20b: {  	[tilespmem:$0x4080] =	vst v7  }
0x20c: {  	[tilespmem:$0x4100] =	vst v5  }
0x20d: {  	v9 =	vld.idx.msk [tilespmem:v11+s17+$0x0], $0xffff;
	_, v7, vm15 =	vpop (xrf1);
	_ =	sdelay $0x4  }
0x20e: {  	v9 =	vadd.s32 v7, v9  }
0x20f: {  	v9 =	vadd.s32 $0xFFFFFFFF, v9;
	[tilespmem:v11+s17+$0x0] =	vst.idx.add.s32.msk vm15, v7  }
0x210: {  	[tilespmem:$0x4010] =	vst v9  }
0x211: {  	[tilespmem:$0x4090] =	vst v8  }
0x212: {  	s19 =	simm.s32 $0x2800;
	s22 =	simm.s32 $0x3000;
	[tilespmem:$0x4110] =	vst v6  }
0x213: {  	[hbm4b:s7+s18] =	stream.indirect.scatter [tilespmem:s22], [sflag:$0x1], $0x1, s19, s18, $0xb8;
	[tilespmem:$0x4980] =	vst v63  }
0x214: {  	s9 =	simm.s32 $0x3800  }
0x215: {  	[hbm4b:s8+s18] =	stream.indirect.scatter [tilespmem:s9], [sflag:$0x1], $0x1, s19, s18, $0xb8;
	[tilespmem:$0x4980] =	vst v63  }
0x216: {  	s10 =	simm.s32 $0x2880;
	s5 =	simm.s32 $0x3080  }
0x217: {  	[hbm4b:s7+s18] =	stream.indirect.scatter [tilespmem:s5], [sflag:$0x1], $0x1, s10, s18, $0xb8;
	[tilespmem:$0x4980] =	vst v63  }
0x218: {  	s11 =	simm.s32 $0x3880  }
0x219: {  	[hbm4b:s8+s18] =	stream.indirect.scatter [tilespmem:s11], [sflag:$0x1], $0x1, s10, s18, $0xb8;
	[tilespmem:$0x4980] =	vst v63  }
0x21a: {  	s16 =	simm.s32 $0x2900;
	s9 =	simm.s32 $0x3100  }
0x21b: {  	[hbm4b:s7+s18] =	stream.indirect.scatter [tilespmem:s9], [sflag:$0x1], $0x1, s16, s18, $0xb8;
	[tilespmem:$0x4980] =	vst v63  }
0x21c: {  	s10 =	simm.s32 $0x3900  }
0x21d: {  	[hbm4b:s8+s18] =	stream.indirect.scatter [tilespmem:s10], [sflag:$0x1], $0x1, s16, s18, $0xb8;
	[tilespmem:$0x4980] =	vst v63  }
0x21e: {  	s11 =	simm.s32 $0x2980;
	s16 =	simm.s32 $0x3180  }
0x21f: {  	[hbm4b:s7+s18] =	stream.indirect.scatter [tilespmem:s16], [sflag:$0x1], $0x1, s11, s18, $0xb8;
	[tilespmem:$0x4980] =	vst v63  }
0x220: {  	s9 =	simm.s32 $0x3980  }
0x221: {  	[hbm4b:s8+s18] =	stream.indirect.scatter [tilespmem:s9], [sflag:$0x1], $0x1, s11, s18, $0xb8;
	[tilespmem:$0x4980] =	vst v63  }
0x222: {  	s10 =	simm.s32 $0x2A00;
	s11 =	simm.s32 $0x3200  }
0x223: {  	[hbm4b:s7+s18] =	stream.indirect.scatter [tilespmem:s11], [sflag:$0x1], $0x1, s10, s18, $0xb8;
	[tilespmem:$0x4980] =	vst v63  }
0x224: {  	s16 =	simm.s32 $0x3A00  }
0x225: {  	[hbm4b:s8+s18] =	stream.indirect.scatter [tilespmem:s16], [sflag:$0x1], $0x1, s10, s18, $0xb8;
	[tilespmem:$0x4980] =	vst v63  }
0x226: {  	s9 =	simm.s32 $0x2A80;
	s10 =	simm.s32 $0x3280  }
0x227: {  	[hbm4b:s7+s18] =	stream.indirect.scatter [tilespmem:s10], [sflag:$0x1], $0x1, s9, s18, $0xb8;
	[tilespmem:$0x4980] =	vst v63  }
0x228: {  	s11 =	simm.s32 $0x3A80  }
0x229: {  	[hbm4b:s8+s18] =	stream.indirect.scatter [tilespmem:s11], [sflag:$0x1], $0x1, s9, s18, $0xb8;
	[tilespmem:$0x4980] =	vst v63  }
0x22a: {  	s16 =	simm.s32 $0x2B00;
	s9 =	simm.s32 $0x3300  }
0x22b: {  	[hbm4b:s7+s18] =	stream.indirect.scatter [tilespmem:s9], [sflag:$0x1], $0x1, s16, s18, $0xb8;
	[tilespmem:$0x4980] =	vst v63  }
0x22c: {  	s10 =	simm.s32 $0x3B00  }
0x22d: {  	[hbm4b:s8+s18] =	stream.indirect.scatter [tilespmem:s10], [sflag:$0x1], $0x1, s16, s18, $0xb8;
	[tilespmem:$0x4980] =	vst v63  }
0x22e: {  	s11 =	simm.s32 $0x3380  }
0x22f: {  	[hbm4b:s7+s18] =	stream.indirect.scatter [tilespmem:s11], [sflag:$0x1], $0x1, s21, s18, $0xb8;
	[tilespmem:$0x4980] =	vst v63  }
0x230: {  	s16 =	simm.s32 $0x3B80  }
0x231: {  	[hbm4b:s8+s18] =	stream.indirect.scatter [tilespmem:s16], [sflag:$0x1], $0x1, s21, s18, $0xb8;
	[tilespmem:$0x4980] =	vst v63  }
0x232: {  	s5 =	simm.s32 $0x3400  }
0x233: {  	[hbm4b:s7+s18] =	stream.indirect.scatter [tilespmem:s5], [sflag:$0x1], $0x1, s26, s18, $0xb8;
	[tilespmem:$0x4980] =	vst v63  }
0x234: {  	s9 =	simm.s32 $0x3C00  }
0x235: {  	[hbm4b:s8+s18] =	stream.indirect.scatter [tilespmem:s9], [sflag:$0x1], $0x1, s26, s18, $0xb8;
	[tilespmem:$0x4980] =	vst v63  }
0x236: {  	s10 =	simm.s32 $0x3480  }
0x237: {  	[hbm4b:s7+s18] =	stream.indirect.scatter [tilespmem:s10], [sflag:$0x1], $0x1, s31, s18, $0xb8;
	[tilespmem:$0x4980] =	vst v63  }
0x238: {  	s11 =	simm.s32 $0x3C80  }
0x239: {  	[hbm4b:s8+s18] =	stream.indirect.scatter [tilespmem:s11], [sflag:$0x1], $0x1, s31, s18, $0xb8;
	[tilespmem:$0x4980] =	vst v63  }
0x23a: {  	s16 =	simm.s32 $0x3500  }
0x23b: {  	[hbm4b:s7+s18] =	stream.indirect.scatter [tilespmem:s16], [sflag:$0x1], $0x1, s1, s18, $0xb8;
	[tilespmem:$0x4980] =	vst v63  }
0x23c: {  	s5 =	simm.s32 $0x3D00  }
0x23d: {  	[hbm4b:s8+s18] =	stream.indirect.scatter [tilespmem:s5], [sflag:$0x1], $0x1, s1, s18, $0xb8;
	[tilespmem:$0x4980] =	vst v63  }
0x23e: {  	s9 =	simm.s32 $0x3580  }
0x23f: {  	[hbm4b:s7+s18] =	stream.indirect.scatter [tilespmem:s9], [sflag:$0x1], $0x1, s20, s18, $0xb8;
	[tilespmem:$0x4980] =	vst v63  }
0x240: {  	s10 =	simm.s32 $0x3D80  }
0x241: {  	[hbm4b:s8+s18] =	stream.indirect.scatter [tilespmem:s10], [sflag:$0x1], $0x1, s20, s18, $0xb8;
	[tilespmem:$0x4980] =	vst v63  }
0x242: {  	s11 =	simm.s32 $0x3600  }
0x243: {  	[hbm4b:s7+s18] =	stream.indirect.scatter [tilespmem:s11], [sflag:$0x1], $0x1, s28, s18, $0xb8;
	[tilespmem:$0x4980] =	vst v63  }
0x244: {  	s16 =	simm.s32 $0x3E00  }
0x245: {  	[hbm4b:s8+s18] =	stream.indirect.scatter [tilespmem:s16], [sflag:$0x1], $0x1, s28, s18, $0xb8;
	[tilespmem:$0x4980] =	vst v63  }
0x246: {  	s5 =	simm.s32 $0x20;
	s9 =	simm.s32 $0x4080;
	s10 =	simm.s32 $0x4000  }
0x247: {  	[hbm4b:s7+s5] =	stream.indirect.scatter [tilespmem:s9], [sflag:$0x1], $0x1, s10, s5, $0xb8;
	[tilespmem:$0x4980] =	vst v63  }
0x248: {  	s11 =	simm.s32 $0x4100  }
0x249: {  	[hbm4b:s8+s5] =	stream.indirect.scatter [tilespmem:s11], [sflag:$0x1], $0x1, s10, s5, $0xb8;
	[tilespmem:$0x4980] =	vst v63  }
0x24a: {  	_ =	swait.ge [sflag:s12], $0x680  }
0x24b: {  	[sflag:s12] =	ssyncset.done $0x0  }
0x24c: {  	[sflag:s12] =	ssyncadd.s32 $0xFFFFF980  }
0x24d: {  	_ =	swait.ge [sflag:s12], $0x680  }
0x24e: {  	[sflag:s12] =	ssyncset.done $0x0  }
0x24f: {  	[sflag:s12] =	ssyncadd.s32 $0xFFFFF980  }
0x250: {  	_ =	swait.ge [sflag:s12], $0x20  }
0x251: {  	[sflag:s12] =	ssyncset.done $0x0  }
0x252: {  	[sflag:s12] =	ssyncadd.s32 $0xFFFFFFE0  }
0x253: {  	_ =	swait.ge [sflag:s12], $0x20  }
0x254: {  	[sflag:s12] =	ssyncset.done $0x0  }
0x255: {  	s16 =	sadd.s32 $0x0, s24;
	s10 =	simm.s32 $0x0;
	[sflag:s12] =	ssyncadd.s32 $0xFFFFFFE0  }
0x256: {  	[tilespmem:s15], [sflag:$0x1] =	stream.linear.gather [hbm4b:s16+s10], $0x800, $0x38;
	[tilespmem:$0x4980] =	vst v63  }
0x257: {  	_ =	swait.ge [sflag:s12], $0x800  }
0x258: {  	s3 =	simm.s32 $0x100;
	[sflag:s12] =	ssyncset.done $0x0  }
.LBB2_20:
0x259: {  	s5 =	sadd.s32 s3, s24;
	[sflag:s12] =	ssyncadd.s32 $0xFFFFF800;
	p1 =	sne.s32 s3, $0x2F00  }
0x25a: {  	[tilespmem:s15], [sflag:$0x1] =	stream.linear.gather [hbm4b:s5+s10], $0x800, $0x38;
	[tilespmem:$0x4980] =	vst v63  }
.Ltmp9:
0x25b: {  	_ = 	snop;
	(pc) =	sbr.rel @p1 .LBB2_20-.Ltmp9, $4  }
0x25c: {  	_ = 	snop  }
0x25d: {  	s3 =	sadd.s32 $0x100, s3  }
0x25e: {  	_ =	swait.ge [sflag:s12], $0x800  }
0x25f: {  	[sflag:s12] =	ssyncset.done $0x0  }
0x260: {  	[sflag:s12] =	ssyncadd.s32 $0xFFFFF800  }
.LBB2_22:
0x261: {  	s3 =	sshll.u32 s10, $0xB  }
0x262: {  	s3 =	sadd.s32 s0, s3  }
0x263: {  	s3 =	sshrl.u32 s3, $0x3  }
0x264: {  	s9 =	simm.s32 $0x0;
	s5 =	sadd.s32 s7, s3  }
0x265: {  	[tilespmem:s15], [sflag:$0x1] =	stream.linear.gather [hbm4b:s5+s9], $0x800, $0x38;
	[tilespmem:$0x4980] =	vst v63  }
0x266: {  	s3 =	sadd.s32 s8, s3  }
0x267: {  	[tilespmem:s30], [sflag:$0x1] =	stream.linear.gather [hbm4b:s3+s9], $0x800, $0x38;
	[tilespmem:$0x4980] =	vst v63  }
0x268: {  	_ =	swait.ge [sflag:s12], $0x800  }
0x269: {  	[sflag:s12] =	ssyncset.done $0x0  }
0x26a: {  	[sflag:s12] =	ssyncadd.s32 $0xFFFFF800  }
0x26b: {  	_ =	swait.ge [sflag:s12], $0x800  }
0x26c: {  	[sflag:s12] =	ssyncset.done $0x0  }
0x26d: {  	s3 =	simm.s32 $0x0;
	[sflag:s12] =	ssyncadd.s32 $0xFFFFF800  }
0x26e: {  	v7 =	vld [tilespmem:s3+$0x1800];
	_ =	sdelay $0x4  }
0x26f: {  	v8 =	vshra.s32 v7, $0x9  }
0x270: {  	(xrf1) =	vunique.msk.u32 $0xffff, v8;
	_ =	sdelay $0xd  }
0x271: {  	_, v9, vm0 =	vpop (xrf1)  }
0x272: {  	v10 =	vld.idx.msk [tilespmem:v8+s23+$0x0], $0xffff;
	_ =	sdelay $0x2  }
0x273: {  	v11 =	vshra.s32 v7, $0xC;
	v12 =	vshrl.u32 v7, $0x6  }
0x274: {  	v12 =	vand.u32 $0x3F, v12;
	v11 =	vmul.u32 $0x2710, v11  }
0x275: {  	v10 =	vadd.s32 v9, v10;
	[tilespmem:v8+s23+$0x0] =	vst.idx.add.s32.msk vm0, v9;
	v8 =	vand.u32 $0x3F, v7;
	v9 =	vmul.u32 $0x64, v12  }
0x276: {  	s11 =	simm.s32 $0x10;
	v10 =	vadd.s32 $0xFFFFFFFF, v10;
	v8 =	vadd.s32 v8, v11  }
0x277: {  	v7 =	vld [tilespmem:s11+$0x1800];
	[tilespmem:s3+$0x2800] =	vst v10;
	v9 =	vadd.s32 v9, v8  }
0x278: {  	s16 =	simm.s32 $0x80;
	v8 =	vld [tilespmem:s3+$0x2000];
	[tilespmem:s3+$0x3800] =	vst v9  }
.LBB2_23:
0x279: {  	_ =	sdelay $0x2  }
0x27a: {  	p1 =	sne.s32 s16, $0x1FC0;
	s5 =	smov.u32 s16;
	s16 =	sadd.s32 $0x40, s16;
	v9 =	vshra.s32 v7, $0x9  }
0x27b: {  	(xrf1) =	vunique.msk.u32 $0xffff, v9;
	[tilespmem:s3+$0x3000] =	vst v8;
	s3 =	smov.u32 s11;
	_ =	sdelay $0x8  }
0x27c: {  	v8 =	vld.idx.msk [tilespmem:v9+s23+$0x0], $0xffff;
	_ =	sdelay $0x4  }
0x27d: {  	_, v10, vm0 =	vpop (xrf1)  }
0x27e: {  	v8 =	vadd.s32 v10, v8;
	_ =	sdelay $0x1  }
0x27f: {  	v11 =	vshra.s32 v7, $0xC;
	v12 =	vshrl.u32 v7, $0x6  }
.Ltmp10:
0x280: {  	v12 =	vand.u32 $0x3F, v12;
	v11 =	vmul.u32 $0x2710, v11;
	(pc) =	sbr.rel @p1 .LBB2_23-.Ltmp10, $4  }
0x281: {  	v7 =	vand.u32 $0x3F, v7;
	v12 =	vmul.u32 $0x64, v12  }
0x282: {  	s11 =	sshra.s32 s5, $0x2;
	v8 =	vadd.s32 $0xFFFFFFFF, v8;
	[tilespmem:v9+s23+$0x0] =	vst.idx.add.s32.msk vm0, v10;
	v9 =	vadd.s32 v7, v11  }
0x283: {  	v7 =	vld [tilespmem:s11+$0x1800];
	v9 =	vadd.s32 v12, v9;
	[tilespmem:s3+$0x2800] =	vst v8  }
0x284: {  	v8 =	vld [tilespmem:s3+$0x2000];
	[tilespmem:s3+$0x3800] =	vst v9  }
0x285: {  	_ =	sdelay $0x2  }
0x286: {  	v9 =	vshra.s32 v7, $0x9  }
0x287: {  	(xrf1) =	vunique.msk.u32 $0xffff, v9;
	_ =	sdelay $0xc  }
0x288: {  	[tilespmem:s3+$0x3000] =	vst v8  }
0x289: {  	v8 =	vld.idx.msk [tilespmem:v9+s23+$0x0], $0xffff;
	_, v10, vm0 =	vpop (xrf1);
	_ =	sdelay $0x4  }
0x28a: {  	v8 =	vadd.s32 v10, v8  }
0x28b: {  	v61 =	vshra.s32 v7, $0xC;
	v62 =	vshrl.u32 v7, $0x6;
	v8 =	vadd.s32 $0xFFFFFFFF, v8;
	[tilespmem:v9+s23+$0x0] =	vst.idx.add.s32.msk vm0, v10  }
0x28c: {  	v9 =	vmul.u32 $0x2710, v61;
	[tilespmem:s11+$0x2800] =	vst v8;
	v8 =	vand.u32 $0x3F, v62;
	v63 =	vld [tilespmem:s11+$0x2000]  }
0x28d: {  	v7 =	vand.u32 $0x3F, v7;
	v8 =	vmul.u32 $0x64, v8  }
0x28e: {  	v7 =	vadd.s32 v7, v9  }
0x28f: {  	v7 =	vadd.s32 v8, v7  }
0x290: {  	[tilespmem:s11+$0x3800] =	vst v7  }
0x291: {  	[tilespmem:s11+$0x3000] =	vst v63  }
0x292: {  	[hbm4b:s2+s18] =	stream.indirect.scatter [tilespmem:s22], [sflag:$0x1], $0x1, s19, s18, $0xb8;
	[tilespmem:$0x4980] =	vst v63  }
0x293: {  	s9 =	simm.s32 $0x3800  }
0x294: {  	[hbm4b:s6+s18] =	stream.indirect.scatter [tilespmem:s9], [sflag:$0x1], $0x1, s19, s18, $0xb8;
	[tilespmem:$0x4980] =	vst v63  }
0x295: {  	s5 =	simm.s32 $0x3080;
	s11 =	simm.s32 $0x2880  }
0x296: {  	[hbm4b:s2+s18] =	stream.indirect.scatter [tilespmem:s5], [sflag:$0x1], $0x1, s11, s18, $0xb8;
	[tilespmem:$0x4980] =	vst v63  }
0x297: {  	s16 =	simm.s32 $0x3880  }
0x298: {  	[hbm4b:s6+s18] =	stream.indirect.scatter [tilespmem:s16], [sflag:$0x1], $0x1, s11, s18, $0xb8;
	[tilespmem:$0x4980] =	vst v63  }
0x299: {  	s9 =	simm.s32 $0x2900;
	s11 =	simm.s32 $0x3100  }
0x29a: {  	[hbm4b:s2+s18] =	stream.indirect.scatter [tilespmem:s11], [sflag:$0x1], $0x1, s9, s18, $0xb8;
	[tilespmem:$0x4980] =	vst v63  }
0x29b: {  	s16 =	simm.s32 $0x3900  }
0x29c: {  	[hbm4b:s6+s18] =	stream.indirect.scatter [tilespmem:s16], [sflag:$0x1], $0x1, s9, s18, $0xb8;
	[tilespmem:$0x4980] =	vst v63  }
0x29d: {  	s11 =	simm.s32 $0x3180;
	s9 =	simm.s32 $0x2980  }
0x29e: {  	[hbm4b:s2+s18] =	stream.indirect.scatter [tilespmem:s11], [sflag:$0x1], $0x1, s9, s18, $0xb8;
	[tilespmem:$0x4980] =	vst v63  }
0x29f: {  	s16 =	simm.s32 $0x3980  }
0x2a0: {  	[hbm4b:s6+s18] =	stream.indirect.scatter [tilespmem:s16], [sflag:$0x1], $0x1, s9, s18, $0xb8;
	[tilespmem:$0x4980] =	vst v63  }
0x2a1: {  	s11 =	simm.s32 $0x3200;
	s9 =	simm.s32 $0x2A00  }
0x2a2: {  	[hbm4b:s2+s18] =	stream.indirect.scatter [tilespmem:s11], [sflag:$0x1], $0x1, s9, s18, $0xb8;
	[tilespmem:$0x4980] =	vst v63  }
0x2a3: {  	s16 =	simm.s32 $0x3A00  }
0x2a4: {  	[hbm4b:s6+s18] =	stream.indirect.scatter [tilespmem:s16], [sflag:$0x1], $0x1, s9, s18, $0xb8;
	[tilespmem:$0x4980] =	vst v63  }
0x2a5: {  	s11 =	simm.s32 $0x3280;
	s9 =	simm.s32 $0x2A80  }
0x2a6: {  	[hbm4b:s2+s18] =	stream.indirect.scatter [tilespmem:s11], [sflag:$0x1], $0x1, s9, s18, $0xb8;
	[tilespmem:$0x4980] =	vst v63  }
0x2a7: {  	s16 =	simm.s32 $0x3A80  }
0x2a8: {  	[hbm4b:s6+s18] =	stream.indirect.scatter [tilespmem:s16], [sflag:$0x1], $0x1, s9, s18, $0xb8;
	[tilespmem:$0x4980] =	vst v63  }
0x2a9: {  	s11 =	simm.s32 $0x3300;
	s9 =	simm.s32 $0x2B00  }
0x2aa: {  	[hbm4b:s2+s18] =	stream.indirect.scatter [tilespmem:s11], [sflag:$0x1], $0x1, s9, s18, $0xb8;
	[tilespmem:$0x4980] =	vst v63  }
0x2ab: {  	s16 =	simm.s32 $0x3B00  }
0x2ac: {  	[hbm4b:s6+s18] =	stream.indirect.scatter [tilespmem:s16], [sflag:$0x1], $0x1, s9, s18, $0xb8;
	[tilespmem:$0x4980] =	vst v63  }
0x2ad: {  	s9 =	simm.s32 $0x3380  }
0x2ae: {  	[hbm4b:s2+s18] =	stream.indirect.scatter [tilespmem:s9], [sflag:$0x1], $0x1, s21, s18, $0xb8;
	[tilespmem:$0x4980] =	vst v63  }
0x2af: {  	s11 =	simm.s32 $0x3B80  }
0x2b0: {  	[hbm4b:s6+s18] =	stream.indirect.scatter [tilespmem:s11], [sflag:$0x1], $0x1, s21, s18, $0xb8;
	[tilespmem:$0x4980] =	vst v63  }
0x2b1: {  	s16 =	simm.s32 $0x3400  }
0x2b2: {  	[hbm4b:s2+s18] =	stream.indirect.scatter [tilespmem:s16], [sflag:$0x1], $0x1, s26, s18, $0xb8;
	[tilespmem:$0x4980] =	vst v63  }
0x2b3: {  	s5 =	simm.s32 $0x3C00  }
0x2b4: {  	[hbm4b:s6+s18] =	stream.indirect.scatter [tilespmem:s5], [sflag:$0x1], $0x1, s26, s18, $0xb8;
	[tilespmem:$0x4980] =	vst v63  }
0x2b5: {  	s9 =	simm.s32 $0x3480  }
0x2b6: {  	[hbm4b:s2+s18] =	stream.indirect.scatter [tilespmem:s9], [sflag:$0x1], $0x1, s31, s18, $0xb8;
	[tilespmem:$0x4980] =	vst v63  }
0x2b7: {  	s11 =	simm.s32 $0x3C80  }
0x2b8: {  	[hbm4b:s6+s18] =	stream.indirect.scatter [tilespmem:s11], [sflag:$0x1], $0x1, s31, s18, $0xb8;
	[tilespmem:$0x4980] =	vst v63  }
0x2b9: {  	s16 =	simm.s32 $0x3500  }
0x2ba: {  	[hbm4b:s2+s18] =	stream.indirect.scatter [tilespmem:s16], [sflag:$0x1], $0x1, s1, s18, $0xb8;
	[tilespmem:$0x4980] =	vst v63  }
0x2bb: {  	s5 =	simm.s32 $0x3D00  }
0x2bc: {  	[hbm4b:s6+s18] =	stream.indirect.scatter [tilespmem:s5], [sflag:$0x1], $0x1, s1, s18, $0xb8;
	[tilespmem:$0x4980] =	vst v63  }
0x2bd: {  	s9 =	simm.s32 $0x3580  }
0x2be: {  	[hbm4b:s2+s18] =	stream.indirect.scatter [tilespmem:s9], [sflag:$0x1], $0x1, s20, s18, $0xb8;
	[tilespmem:$0x4980] =	vst v63  }
0x2bf: {  	s11 =	simm.s32 $0x3D80  }
0x2c0: {  	[hbm4b:s6+s18] =	stream.indirect.scatter [tilespmem:s11], [sflag:$0x1], $0x1, s20, s18, $0xb8;
	[tilespmem:$0x4980] =	vst v63  }
0x2c1: {  	s16 =	simm.s32 $0x3600  }
0x2c2: {  	[hbm4b:s2+s18] =	stream.indirect.scatter [tilespmem:s16], [sflag:$0x1], $0x1, s28, s18, $0xb8;
	[tilespmem:$0x4980] =	vst v63  }
0x2c3: {  	s5 =	simm.s32 $0x3E00  }
0x2c4: {  	[hbm4b:s6+s18] =	stream.indirect.scatter [tilespmem:s5], [sflag:$0x1], $0x1, s28, s18, $0xb8;
	[tilespmem:$0x4980] =	vst v63  }
0x2c5: {  	s9 =	simm.s32 $0x2E80;
	s11 =	simm.s32 $0x3680  }
0x2c6: {  	[hbm4b:s2+s18] =	stream.indirect.scatter [tilespmem:s11], [sflag:$0x1], $0x1, s9, s18, $0xb8;
	[tilespmem:$0x4980] =	vst v63  }
0x2c7: {  	s16 =	simm.s32 $0x3E80  }
0x2c8: {  	[hbm4b:s6+s18] =	stream.indirect.scatter [tilespmem:s16], [sflag:$0x1], $0x1, s9, s18, $0xb8;
	[tilespmem:$0x4980] =	vst v63  }
0x2c9: {  	s11 =	simm.s32 $0x3700;
	s9 =	simm.s32 $0x2F00  }
0x2ca: {  	[hbm4b:s2+s18] =	stream.indirect.scatter [tilespmem:s11], [sflag:$0x1], $0x1, s9, s18, $0xb8;
	[tilespmem:$0x4980] =	vst v63  }
0x2cb: {  	s16 =	simm.s32 $0x3F00  }
0x2cc: {  	[hbm4b:s6+s18] =	stream.indirect.scatter [tilespmem:s16], [sflag:$0x1], $0x1, s9, s18, $0xb8;
	[tilespmem:$0x4980] =	vst v63  }
0x2cd: {  	s11 =	simm.s32 $0x3780;
	s9 =	simm.s32 $0x2F80  }
0x2ce: {  	[hbm4b:s2+s18] =	stream.indirect.scatter [tilespmem:s11], [sflag:$0x1], $0x1, s9, s18, $0xb8;
	[tilespmem:$0x4980] =	vst v63  }
0x2cf: {  	s10 =	sadd.s32 $0x1, s10;
	s16 =	simm.s32 $0x3F80  }
0x2d0: {  	[hbm4b:s6+s18] =	stream.indirect.scatter [tilespmem:s16], [sflag:$0x1], $0x1, s9, s18, $0xb8;
	[tilespmem:$0x4980] =	vst v63  }
0x2d1: {  	p1 =	sne.s32 s10, $0x30;
	_ =	swait.ge [sflag:s12], $0x800  }
.Ltmp11:
0x2d2: {  	[sflag:s12] =	ssyncset.done $0x0;
	(pc) =	sbr.rel @p1 .LBB2_22-.Ltmp11, $4  }
0x2d3: {  	[sflag:s12] =	ssyncadd.s32 $0xFFFFF800  }
0x2d4: {  	_ =	swait.ge [sflag:s12], $0x800  }
0x2d5: {  	[sflag:s12] =	ssyncset.done $0x0  }
0x2d6: {  	[sflag:s12] =	ssyncadd.s32 $0xFFFFF800  }
0x2d7: {  	s5 =	rddreg [dreg:$0xb]  }
0x2d8: {  	s3 =	simm.s32 $0x0;
	s0 =	sadd.s32 s7, s5  }
0x2d9: {  	[tilespmem:s15], [sflag:$0x1] =	stream.linear.gather [hbm4b:s0+s3], $0x6A0, $0x38;
	[tilespmem:$0x4980] =	vst v63  }
0x2da: {  	s16 =	sadd.s32 s8, s5  }
0x2db: {  	[tilespmem:s30], [sflag:$0x1] =	stream.linear.gather [hbm4b:s16+s3], $0x6A0, $0x38;
	[tilespmem:$0x4980] =	vst v63  }
0x2dc: {  	_ =	swait.ge [sflag:s12], $0x6A0  }
0x2dd: {  	[sflag:s12] =	ssyncset.done $0x0  }
0x2de: {  	[sflag:s12] =	ssyncadd.s32 $0xFFFFF960  }
0x2df: {  	_ =	swait.ge [sflag:s12], $0x6A0  }
0x2e0: {  	[sflag:s12] =	ssyncset.done $0x0  }
0x2e1: {  	s3 =	simm.s32 $0x0;
	[sflag:s12] =	ssyncadd.s32 $0xFFFFF960  }
0x2e2: {  	v7 =	vld [tilespmem:s3+$0x1800];
	_ =	sdelay $0x4  }
0x2e3: {  	v8 =	vshra.s32 v7, $0x9  }
0x2e4: {  	(xrf1) =	vunique.msk.u32 $0xffff, v8;
	_ =	sdelay $0xd  }
0x2e5: {  	_, v9, vm0 =	vpop (xrf1)  }
0x2e6: {  	v10 =	vld.idx.msk [tilespmem:v8+s23+$0x0], $0xffff;
	_ =	sdelay $0x2  }
0x2e7: {  	v11 =	vshra.s32 v7, $0xC;
	v12 =	vshrl.u32 v7, $0x6  }
0x2e8: {  	v12 =	vand.u32 $0x3F, v12;
	v11 =	vmul.u32 $0x2710, v11  }
0x2e9: {  	v10 =	vadd.s32 v9, v10;
	[tilespmem:v8+s23+$0x0] =	vst.idx.add.s32.msk vm0, v9;
	v8 =	vand.u32 $0x3F, v7;
	v9 =	vmul.u32 $0x64, v12  }
0x2ea: {  	s10 =	simm.s32 $0x10;
	v10 =	vadd.s32 $0xFFFFFFFF, v10;
	v8 =	vadd.s32 v8, v11  }
0x2eb: {  	v7 =	vld [tilespmem:s10+$0x1800];
	[tilespmem:s3+$0x2800] =	vst v10;
	v9 =	vadd.s32 v9, v8  }
0x2ec: {  	s11 =	simm.s32 $0x80;
	v8 =	vld [tilespmem:s3+$0x2000];
	[tilespmem:s3+$0x3800] =	vst v9  }
.LBB2_26:
0x2ed: {  	_ =	sdelay $0x2  }
0x2ee: {  	p1 =	sne.s32 s11, $0x19C0;
	s0 =	smov.u32 s11;
	s11 =	sadd.s32 $0x40, s11;
	v9 =	vshra.s32 v7, $0x9  }
0x2ef: {  	(xrf1) =	vunique.msk.u32 $0xffff, v9;
	[tilespmem:s3+$0x3000] =	vst v8;
	s3 =	smov.u32 s10;
	_ =	sdelay $0x8  }
0x2f0: {  	v8 =	vld.idx.msk [tilespmem:v9+s23+$0x0], $0xffff;
	_ =	sdelay $0x4  }
0x2f1: {  	_, v10, vm0 =	vpop (xrf1)  }
0x2f2: {  	v8 =	vadd.s32 v10, v8;
	_ =	sdelay $0x1  }
0x2f3: {  	v11 =	vshra.s32 v7, $0xC;
	v12 =	vshrl.u32 v7, $0x6  }
.Ltmp12:
0x2f4: {  	v12 =	vand.u32 $0x3F, v12;
	v11 =	vmul.u32 $0x2710, v11;
	(pc) =	sbr.rel @p1 .LBB2_26-.Ltmp12, $4  }
0x2f5: {  	v7 =	vand.u32 $0x3F, v7;
	v12 =	vmul.u32 $0x64, v12  }
0x2f6: {  	s10 =	sshra.s32 s0, $0x2;
	v8 =	vadd.s32 $0xFFFFFFFF, v8;
	[tilespmem:v9+s23+$0x0] =	vst.idx.add.s32.msk vm0, v10;
	v9 =	vadd.s32 v7, v11  }
0x2f7: {  	v7 =	vld [tilespmem:s10+$0x1800];
	v9 =	vadd.s32 v12, v9;
	[tilespmem:s3+$0x2800] =	vst v8  }
0x2f8: {  	v8 =	vld [tilespmem:s3+$0x2000];
	[tilespmem:s3+$0x3800] =	vst v9  }
0x2f9: {  	_ =	sdelay $0x2  }
0x2fa: {  	v9 =	vshra.s32 v7, $0x9  }
0x2fb: {  	(xrf1) =	vunique.msk.u32 $0xffff, v9;
	_ =	sdelay $0xc  }
0x2fc: {  	[tilespmem:s3+$0x3000] =	vst v8  }
0x2fd: {  	v8 =	vld.idx.msk [tilespmem:v9+s23+$0x0], $0xffff;
	_, v10, vm0 =	vpop (xrf1);
	_ =	sdelay $0x4  }
0x2fe: {  	v8 =	vadd.s32 v10, v8  }
0x2ff: {  	v55 =	vshra.s32 v7, $0xC;
	v56 =	vshrl.u32 v7, $0x6;
	v8 =	vadd.s32 $0xFFFFFFFF, v8;
	[tilespmem:v9+s23+$0x0] =	vst.idx.add.s32.msk vm0, v10  }
0x300: {  	v9 =	vmul.u32 $0x2710, v55;
	[tilespmem:s10+$0x2800] =	vst v8;
	v8 =	vand.u32 $0x3F, v56;
	v57 =	vld [tilespmem:s10+$0x2000]  }
0x301: {  	v7 =	vand.u32 $0x3F, v7;
	v8 =	vmul.u32 $0x64, v8  }
0x302: {  	v7 =	vadd.s32 v7, v9  }
0x303: {  	v7 =	vadd.s32 v8, v7  }
0x304: {  	[tilespmem:s10+$0x3800] =	vst v7  }
0x305: {  	[tilespmem:s10+$0x3000] =	vst v57  }
0x306: {  	v7 =	vld [tilespmem:$0x1E80];
	_ =	sdelay $0x4  }
0x307: {  	v8 =	vshra.s32 v7, $0x9  }
0x308: {  	(xrf1) =	vunique.msk.u32 $0xffff, v8;
	_ =	sdelay $0xd  }
0x309: {  	_, v58, vm14 =	vpop (xrf1);
	_ =	sdelay $0x4  }
0x30a: {  	v10 =	vld.idx.msk [tilespmem:v8+s23+$0x0], $0xffff  }
0x30b: {  	[tilespmem:v8+s23+$0x0] =	vst.idx.add.s32.msk vm14, v58  }
0x30c: {  	v8 =	vld [tilespmem:$0x1E90];
	_ =	sdelay $0x4  }
0x30d: {  	v11 =	vshra.s32 v8, $0x9  }
0x30e: {  	(xrf1) =	vunique.msk.u32 $0xffff, v11;
	_ =	sdelay $0x9  }
0x30f: {  	v13 =	vshra.s32 v7, $0xC;
	v14 =	vshrl.u32 v7, $0x6  }
0x310: {  	v59 =	vand.u32 $0x3F, v14;
	v13 =	vmul.u32 $0x2710, v13;
	v12 =	vld [tilespmem:$0x2680]  }
0x311: {  	v7 =	vand.u32 $0x3F, v7;
	v9 =	vadd.s32 v58, v10;
	v10 =	vmul.u32 $0x64, v59  }
0x312: {  	v7 =	vadd.s32 v7, v13;
	v9 =	vadd.s32 $0xFFFFFFFF, v9  }
0x313: {  	v7 =	vadd.s32 v10, v7;
	[tilespmem:$0x4000] =	vst v9;
	_, v60, vm15 =	vpop (xrf1)  }
0x314: {  	[tilespmem:$0x4100] =	vst v7  }
0x315: {  	[tilespmem:$0x4080] =	vst v12  }
0x316: {  	v7 =	vld.idx.msk [tilespmem:v11+s23+$0x0], $0xffff;
	_ =	sdelay $0x2  }
0x317: {  	v62 =	vshra.s32 v8, $0xC;
	v63 =	vshrl.u32 v8, $0x6;
	[tilespmem:v11+s23+$0x0] =	vst.idx.add.s32.msk vm15, v60  }
0x318: {  	v10 =	vmul.u32 $0x2710, v62;
	v11 =	vand.u32 $0x3F, v63;
	v61 =	vld [tilespmem:$0x2690]  }
0x319: {  	v8 =	vand.u32 $0x3F, v8;
	v7 =	vadd.s32 v60, v7;
	v11 =	vmul.u32 $0x64, v11  }
0x31a: {  	v8 =	vadd.s32 v8, v10;
	v7 =	vadd.s32 $0xFFFFFFFF, v7  }
0x31b: {  	[tilespmem:$0x4010] =	vst v7;
	v7 =	vadd.s32 v11, v8  }
0x31c: {  	[tilespmem:$0x4110] =	vst v7  }
0x31d: {  	[tilespmem:$0x4090] =	vst v61  }
0x31e: {  	[hbm4b:s2+s18] =	stream.indirect.scatter [tilespmem:s22], [sflag:$0x1], $0x1, s19, s18, $0xb8;
	[tilespmem:$0x4980] =	vst v63  }
0x31f: {  	s0 =	simm.s32 $0x3800  }
0x320: {  	[hbm4b:s6+s18] =	stream.indirect.scatter [tilespmem:s0], [sflag:$0x1], $0x1, s19, s18, $0xb8;
	[tilespmem:$0x4980] =	vst v63  }
0x321: {  	s11 =	simm.s32 $0x2880;
	s16 =	simm.s32 $0x3080  }
0x322: {  	[hbm4b:s2+s18] =	stream.indirect.scatter [tilespmem:s16], [sflag:$0x1], $0x1, s11, s18, $0xb8;
	[tilespmem:$0x4980] =	vst v63  }
0x323: {  	s19 =	simm.s32 $0x3880  }
0x324: {  	[hbm4b:s6+s18] =	stream.indirect.scatter [tilespmem:s19], [sflag:$0x1], $0x1, s11, s18, $0xb8;
	[tilespmem:$0x4980] =	vst v63  }
0x325: {  	s5 =	simm.s32 $0x3100;
	s22 =	simm.s32 $0x2900  }
0x326: {  	[hbm4b:s2+s18] =	stream.indirect.scatter [tilespmem:s5], [sflag:$0x1], $0x1, s22, s18, $0xb8;
	[tilespmem:$0x4980] =	vst v63  }
0x327: {  	s9 =	simm.s32 $0x3900  }
0x328: {  	[hbm4b:s6+s18] =	stream.indirect.scatter [tilespmem:s9], [sflag:$0x1], $0x1, s22, s18, $0xb8;
	[tilespmem:$0x4980] =	vst v63  }
0x329: {  	s10 =	simm.s32 $0x2980;
	s11 =	simm.s32 $0x3180  }
0x32a: {  	[hbm4b:s2+s18] =	stream.indirect.scatter [tilespmem:s11], [sflag:$0x1], $0x1, s10, s18, $0xb8;
	[tilespmem:$0x4980] =	vst v63  }
0x32b: {  	s16 =	simm.s32 $0x3980  }
0x32c: {  	[hbm4b:s6+s18] =	stream.indirect.scatter [tilespmem:s16], [sflag:$0x1], $0x1, s10, s18, $0xb8;
	[tilespmem:$0x4980] =	vst v63  }
0x32d: {  	s19 =	simm.s32 $0x2A00;
	s22 =	simm.s32 $0x3200  }
0x32e: {  	[hbm4b:s2+s18] =	stream.indirect.scatter [tilespmem:s22], [sflag:$0x1], $0x1, s19, s18, $0xb8;
	[tilespmem:$0x4980] =	vst v63  }
0x32f: {  	s5 =	simm.s32 $0x3A00  }
0x330: {  	[hbm4b:s6+s18] =	stream.indirect.scatter [tilespmem:s5], [sflag:$0x1], $0x1, s19, s18, $0xb8;
	[tilespmem:$0x4980] =	vst v63  }
0x331: {  	s9 =	simm.s32 $0x2A80;
	s10 =	simm.s32 $0x3280  }
0x332: {  	[hbm4b:s2+s18] =	stream.indirect.scatter [tilespmem:s10], [sflag:$0x1], $0x1, s9, s18, $0xb8;
	[tilespmem:$0x4980] =	vst v63  }
0x333: {  	s11 =	simm.s32 $0x3A80  }
0x334: {  	[hbm4b:s6+s18] =	stream.indirect.scatter [tilespmem:s11], [sflag:$0x1], $0x1, s9, s18, $0xb8;
	[tilespmem:$0x4980] =	vst v63  }
0x335: {  	s16 =	simm.s32 $0x2B00;
	s19 =	simm.s32 $0x3300  }
0x336: {  	[hbm4b:s2+s18] =	stream.indirect.scatter [tilespmem:s19], [sflag:$0x1], $0x1, s16, s18, $0xb8;
	[tilespmem:$0x4980] =	vst v63  }
0x337: {  	s22 =	simm.s32 $0x3B00  }
0x338: {  	[hbm4b:s6+s18] =	stream.indirect.scatter [tilespmem:s22], [sflag:$0x1], $0x1, s16, s18, $0xb8;
	[tilespmem:$0x4980] =	vst v63  }
0x339: {  	s3 =	simm.s32 $0x3380  }
0x33a: {  	[hbm4b:s2+s18] =	stream.indirect.scatter [tilespmem:s3], [sflag:$0x1], $0x1, s21, s18, $0xb8;
	[tilespmem:$0x4980] =	vst v63  }
0x33b: {  	s5 =	simm.s32 $0x3B80  }
0x33c: {  	[hbm4b:s6+s18] =	stream.indirect.scatter [tilespmem:s5], [sflag:$0x1], $0x1, s21, s18, $0xb8;
	[tilespmem:$0x4980] =	vst v63  }
0x33d: {  	s9 =	simm.s32 $0x3400  }
0x33e: {  	[hbm4b:s2+s18] =	stream.indirect.scatter [tilespmem:s9], [sflag:$0x1], $0x1, s26, s18, $0xb8;
	[tilespmem:$0x4980] =	vst v63  }
0x33f: {  	s10 =	simm.s32 $0x3C00  }
0x340: {  	[hbm4b:s6+s18] =	stream.indirect.scatter [tilespmem:s10], [sflag:$0x1], $0x1, s26, s18, $0xb8;
	[tilespmem:$0x4980] =	vst v63  }
0x341: {  	s11 =	simm.s32 $0x3480  }
0x342: {  	[hbm4b:s2+s18] =	stream.indirect.scatter [tilespmem:s11], [sflag:$0x1], $0x1, s31, s18, $0xb8;
	[tilespmem:$0x4980] =	vst v63  }
0x343: {  	s16 =	simm.s32 $0x3C80  }
0x344: {  	[hbm4b:s6+s18] =	stream.indirect.scatter [tilespmem:s16], [sflag:$0x1], $0x1, s31, s18, $0xb8;
	[tilespmem:$0x4980] =	vst v63  }
0x345: {  	s19 =	simm.s32 $0x3500  }
0x346: {  	[hbm4b:s2+s18] =	stream.indirect.scatter [tilespmem:s19], [sflag:$0x1], $0x1, s1, s18, $0xb8;
	[tilespmem:$0x4980] =	vst v63  }
0x347: {  	s22 =	simm.s32 $0x3D00  }
0x348: {  	[hbm4b:s6+s18] =	stream.indirect.scatter [tilespmem:s22], [sflag:$0x1], $0x1, s1, s18, $0xb8;
	[tilespmem:$0x4980] =	vst v63  }
0x349: {  	s3 =	simm.s32 $0x3580  }
0x34a: {  	[hbm4b:s2+s18] =	stream.indirect.scatter [tilespmem:s3], [sflag:$0x1], $0x1, s20, s18, $0xb8;
	[tilespmem:$0x4980] =	vst v63  }
0x34b: {  	s5 =	simm.s32 $0x3D80  }
0x34c: {  	[hbm4b:s6+s18] =	stream.indirect.scatter [tilespmem:s5], [sflag:$0x1], $0x1, s20, s18, $0xb8;
	[tilespmem:$0x4980] =	vst v63  }
0x34d: {  	s9 =	simm.s32 $0x3600  }
0x34e: {  	[hbm4b:s2+s18] =	stream.indirect.scatter [tilespmem:s9], [sflag:$0x1], $0x1, s28, s18, $0xb8;
	[tilespmem:$0x4980] =	vst v63  }
0x34f: {  	s10 =	simm.s32 $0x3E00  }
0x350: {  	[hbm4b:s6+s18] =	stream.indirect.scatter [tilespmem:s10], [sflag:$0x1], $0x1, s28, s18, $0xb8;
	[tilespmem:$0x4980] =	vst v63  }
0x351: {  	s11 =	simm.s32 $0x20;
	s16 =	simm.s32 $0x4000;
	s5 =	simm.s32 $0x4080  }
0x352: {  	[hbm4b:s2+s11] =	stream.indirect.scatter [tilespmem:s5], [sflag:$0x1], $0x1, s16, s11, $0xb8;
	[tilespmem:$0x4980] =	vst v63  }
0x353: {  	s19 =	simm.s32 $0x4100  }
0x354: {  	[hbm4b:s6+s11] =	stream.indirect.scatter [tilespmem:s19], [sflag:$0x1], $0x1, s16, s11, $0xb8;
	[tilespmem:$0x4980] =	vst v63  }
0x355: {  	_ =	swait.ge [sflag:s12], $0x680  }
0x356: {  	[sflag:s12] =	ssyncset.done $0x0  }
0x357: {  	[sflag:s12] =	ssyncadd.s32 $0xFFFFF980  }
0x358: {  	_ =	swait.ge [sflag:s12], $0x680  }
0x359: {  	[sflag:s12] =	ssyncset.done $0x0  }
0x35a: {  	[sflag:s12] =	ssyncadd.s32 $0xFFFFF980  }
0x35b: {  	_ =	swait.ge [sflag:s12], $0x20  }
0x35c: {  	[sflag:s12] =	ssyncset.done $0x0  }
0x35d: {  	[sflag:s12] =	ssyncadd.s32 $0xFFFFFFE0  }
0x35e: {  	_ =	swait.ge [sflag:s12], $0x20  }
0x35f: {  	s22 =	rddreg [dreg:$0xa]  }
0x360: {  	s3 =	sadd.s32 $0x1, s22  }
0x361: {  	p1 =	sne.s32 s3, $0x8  }
.Ltmp13:
0x362: {  	_ = 	snop;
	(pc) =	sbr.rel @p1 .LBB2_3-.Ltmp13, $4  }
0x363: {  	_ = 	snop  }
0x364: {  	[sflag:s12] =	ssyncset.done $0x0  }
0x365: {  	[sflag:s12] =	ssyncadd.s32 $0xFFFFFFE0  }
0x366: {  	s24 =	sadd.s32 $0x30D4, s24;
	s16 =	rddreg [dreg:$0x1]  }
0x367: {  	s3 =	rddreg [dreg:$0x9]  }
0x368: {  	s0 =	rddreg [dreg:$0x7];
	s3 =	sadd.s32 $0x1, s3  }
0x369: {  	p1 =	sne.s32 s3, s0  }
.Ltmp14:
0x36a: {  	_ = 	snop;
	(pc) =	sbr.rel @p1 .LBB2_2-.Ltmp14, $1  }
0x36b: {  	_ =	sdelay $0x3  }
.LBB2_29:
0x36c: {  	_ =	sfence.sel $0x180000  }
0x36d: {  	[bflag:$0x0] =	sbarrier.arrive $0xFFFF  }
0x36e: {  	_ =	strace $0x90000047  }
0x36f: {  	[bflag:$0x2] =	sbarrier.arrive $0xFFFF  }
0x370: {  	s0 =	rddreg [dreg:$0x4]  }
0x371: {  	s0 =	sadd.s32 @!p0 $0x100000, s0  }
0x372: {  	[sflag:s0] =	ssyncadd.tile.s32 @!p0 $0x1;
	_ =	shalt  }
.Lfunc_end2:
_tile_overlayer_lowered:
.L_overlay_start_2:
0x373: {  	(tag) =	ssettag $0x2  }
0x374: {  	s0 =	rddreg [dreg:$0x0];
	s2 =	stileid.u32  }
0x375: {  	s1 =	rddreg [dreg:$0x1];
	p0 =	sne.s32 s2, $0x0  }
0x376: {  	s3 =	rddreg [dreg:$0x2];
	[bflag:$0x3] =	sbarrier.arrive $0xFFFF;
	s2 =	simm.s32 @!p0 $0x1C02  }
0x377: {  	[timem:s3], [sflag:s2] =	dma.local @!p0 [hbm:s0], s1  }
0x378: {  	s0 =	simm.s32 @!p0 $0x2  }
0x379: {  	_ =	swait.ge @!p0 [sflag:s0], s1  }
0x37a: {  	s1 =	ssub.s32 @!p0 $0x0, s1;
	[sflag:s0] =	ssyncset.done @!p0 $0x0  }
0x37b: {  	[sflag:s0] =	ssyncadd.s32 @!p0 s1  }
0x37c: {  	[bflag:$0x3] =	sbarrier.arrive $0xFFFF  }
0x37d: {  	_ =	shalt  }

</sc_bundles>
